<compile_context>
chip_gen: v7x
topology: tpu7x:2x2x1
jax: 0.10.2.dev20260603
libtpu: 0.0.44.dev20260713+nightly
codegen_flags: <defaults>
</compile_context>

<pallas_src>
import functools

import jax
import jax.numpy as jnp
from jax import lax
from jax.experimental import pallas as pl
from jax.experimental.pallas import tpu as pltpu
from jax.experimental.pallas import tpu_sc as plsc

N = 10000
NP = 10240
E = 320000
D = 64

NC = 2
NS = 16
NW = NC * NS
CH = 128
EP = 327680
NCH = EP // (NW * CH)
NB = 4
RPS = NP // NS

_MESH = plsc.VectorSubcoreMesh(core_axis_name="c", subcore_axis_name="s")
_SC_PARAMS = pltpu.CompilerParams(use_tc_tiling_on_sc=False)


def _zero_vmem_f32(ref, nrows, width):
    z16 = jnp.zeros((16,), jnp.float32)

    def body(i, c):
        for j in range(width // 16):
            ref[i, pl.ds(j * 16, 16)] = z16
        return c

    lax.fori_loop(0, nrows, body, 0)


@functools.partial(
    pl.kernel,
    out_type=jax.ShapeDtypeStruct((NC, NP, 8), jnp.float32),
    mesh=_MESH,
    compiler_params=_SC_PARAMS,
    scratch_types=[
        pltpu.VMEM((NCH, CH), jnp.int32),
        pltpu.VMEM((NCH, CH), jnp.int32),
        pltpu.VMEM((CH, 8), jnp.float32),
        pltpu.VMEM((CH, 8), jnp.float32),
        pltpu.VMEM((RPS // 5, 8), jnp.float32),
        pltpu.VMEM_SHARED((NP, 8), jnp.float32),
        pltpu.SemaphoreType.DMA,
        pltpu.SemaphoreType.DMA,
    ],
)
def _hist(src_hbm, dst_hbm, const_hbm, out_hbm, src_v, dst_v, ones_s, ones_d,
          zbuf, acc, sem_s, sem_d):
    cid = lax.axis_index("c")
    sid = lax.axis_index("s")
    wid = cid * NS + sid

    pltpu.sync_copy(const_hbm.at[pl.ds(0, CH)], ones_s)
    pltpu.sync_copy(const_hbm.at[pl.ds(CH, CH)], ones_d)
    pltpu.sync_copy(const_hbm.at[pl.ds(2 * CH, RPS // 5)], zbuf)

    for k in range(5):
        pltpu.sync_copy(
            zbuf, acc.at[pl.ds(sid * RPS + k * (RPS // 5), RPS // 5)])

    pltpu.sync_copy(src_hbm.at[wid], src_v)
    pltpu.sync_copy(dst_hbm.at[wid], dst_v)

    plsc.subcore_barrier()

    WIN = 8

    def chunk(j, c):
        pltpu.async_copy(ones_s, acc.at[src_v.at[j]], sem_s, add=True)
        pltpu.async_copy(ones_d, acc.at[dst_v.at[j]], sem_d, add=True)

        @pl.when(j >= WIN)
        def _():
            pltpu.make_async_copy(ones_s, acc.at[src_v.at[0]], sem_s).wait()
            pltpu.make_async_copy(ones_d, acc.at[dst_v.at[0]], sem_d).wait()

        return c

    lax.fori_loop(0, NCH, chunk, 0)
    for _ in range(WIN):
        pltpu.make_async_copy(ones_s, acc.at[src_v.at[0]], sem_s).wait()
        pltpu.make_async_copy(ones_d, acc.at[dst_v.at[0]], sem_d).wait()

    plsc.subcore_barrier()

    r0 = sid * RPS
    pltpu.sync_copy(acc.at[pl.ds(r0, RPS)], out_hbm.at[cid, pl.ds(r0, RPS)])


@functools.partial(
    pl.kernel,
    out_type=jax.ShapeDtypeStruct((NC, NP, D), jnp.float32),
    mesh=_MESH,
    compiler_params=_SC_PARAMS,
    scratch_types=[
        pltpu.VMEM((NCH, CH), jnp.int32),
        pltpu.VMEM((NCH, CH), jnp.int32),
        [[pltpu.VMEM((CH, D), jnp.float32)] * NB] * 2,
        pltpu.VMEM_SHARED((NP, D), jnp.float32),
        [[pltpu.SemaphoreType.DMA] * NB] * 2,
        [[pltpu.SemaphoreType.DMA] * NB] * 2,
    ],
)
def _agg(y_hbm, src_hbm, dst_hbm, out_hbm, src_v, dst_v, rows, acc,
         gsems, ssems):
    cid = lax.axis_index("c")
    sid = lax.axis_index("s")
    wid = cid * NS + sid

    ld_s = pltpu.async_copy(src_hbm.at[wid], src_v, gsems[0][0])
    ld_d = pltpu.async_copy(dst_hbm.at[wid], dst_v, gsems[0][1])
    _zero_vmem_f32(rows[0][0], CH, D)
    for k in range(RPS // CH):
        pltpu.async_copy(rows[0][0], acc.at[pl.ds(sid * RPS + k * CH, CH)],
                         ssems[0][0])
    ld_s.wait()
    ld_d.wait()
    for k in range(RPS // CH):
        pltpu.make_async_copy(rows[0][0], acc.at[pl.ds(sid * RPS, CH)],
                              ssems[0][0]).wait()

    plsc.subcore_barrier()

    def drain(p):
        for b in range(NB):
            pltpu.make_async_copy(rows[p][b], acc.at[dst_v.at[0]],
                                  ssems[p][b]).wait()

    def run_group(g, p):
        base = g * NB
        gds = [pltpu.async_copy(y_hbm.at[src_v.at[base + b]], rows[p][b],
                                gsems[p][b]) for b in range(NB)]
        for b in range(NB):
            gds[b].wait()
            pltpu.async_copy(rows[p][b], acc.at[dst_v.at[base + b]],
                             ssems[p][b], add=True)

    NG = NCH // NB

    def pair(i, c):
        for p in range(2):
            @pl.when(i > 0)
            def _():
                drain(p)

            run_group(2 * i + p, p)
        return c

    lax.fori_loop(0, NG // 2, pair, 0)
    drain(0)
    drain(1)

    plsc.subcore_barrier()

    r0 = sid * RPS
    pltpu.sync_copy(acc.at[pl.ds(r0, RPS)], out_hbm.at[cid, pl.ds(r0, RPS)])


_BLK = 2048
_GRID = NP // _BLK


def _mm_body(hx_ref, w_ref, z_ref):
    z_ref[...] = jnp.dot(hx_ref[...], w_ref[...],
                         preferred_element_type=jnp.float32)


def _mm(hx, W1):
    return pl.pallas_call(
        _mm_body,
        out_shape=jax.ShapeDtypeStruct((NP, D), jnp.float32),
        grid=(_GRID,),
        in_specs=[
            pl.BlockSpec((_BLK, 128), lambda i: (i, 0)),
            pl.BlockSpec((128, D), lambda i: (0, 0)),
        ],
        out_specs=pl.BlockSpec((_BLK, D), lambda i: (i, 0)),
    )(hx, W1)


def _tc0_body(z_ref, degp_ref, y_ref, nsd_ref):
    d = degp_ref[...]
    deg_o = d[0, :, 0] + d[1, :, 0]
    deg_i = d[0, :, 4] + d[1, :, 4]
    ns = lax.rsqrt(jnp.maximum(deg_o, 1.0))[:, None]
    nd = lax.rsqrt(jnp.maximum(deg_i, 1.0))[:, None]
    nsd_ref[...] = jnp.concatenate([ns, nd], axis=1)
    y_ref[...] = z_ref[...] * ns


def _tc0(z, degp):
    return pl.pallas_call(
        _tc0_body,
        out_shape=[jax.ShapeDtypeStruct((NP, D), jnp.float32),
                   jax.ShapeDtypeStruct((NP, 2), jnp.float32)],
        grid=(_GRID,),
        in_specs=[
            pl.BlockSpec((_BLK, D), lambda i: (i, 0)),
            pl.BlockSpec((NC, _BLK, 8), lambda i: (0, i, 0)),
        ],
        out_specs=[pl.BlockSpec((_BLK, D), lambda i: (i, 0)),
                   pl.BlockSpec((_BLK, 2), lambda i: (i, 0))],
    )(z, degp)


def _layer_body(p_ref, w_ref, b_ref, nsd_ref, y_ref):
    p = p_ref[0] + p_ref[1]
    p = jnp.dot(p, w_ref[...], preferred_element_type=jnp.float32)
    nsd = nsd_ref[...]
    h = jnp.maximum(p * nsd[:, 1:2] + b_ref[...], 0.0)
    y_ref[...] = h * nsd[:, 0:1]


def _layer(partials, W, b, nsd):
    return pl.pallas_call(
        _layer_body,
        out_shape=jax.ShapeDtypeStruct((NP, D), jnp.float32),
        grid=(_GRID,),
        in_specs=[
            pl.BlockSpec((NC, _BLK, D), lambda i: (0, i, 0)),
            pl.BlockSpec((D, D), lambda i: (0, 0)),
            pl.BlockSpec((1, D), lambda i: (0, 0)),
            pl.BlockSpec((_BLK, 2), lambda i: (i, 0)),
        ],
        out_specs=pl.BlockSpec((_BLK, D), lambda i: (i, 0)),
    )(partials, W, b, nsd)


def _head_body(h_ref, nsd_ref, wp1_ref, bp1_ref, wp2_ref, bp2_ref, out_ref):
    rows = lax.broadcasted_iota(jnp.int32, (NP, 1), 0)
    h = jnp.where(rows < N, h_ref[...] / nsd_ref[:, 0:1], 0.0)
    m = jnp.sum(h, axis=0, keepdims=True) * (1.0 / N)
    t = jnp.maximum(jnp.dot(m, wp1_ref[...], preferred_element_type=jnp.float32)
                    + bp1_ref[...], 0.0)
    out_ref[...] = jnp.dot(t, wp2_ref[...], preferred_element_type=jnp.float32) \
        + bp2_ref[...]


def _head(h, nsd, Wp1, bp1, Wp2, bp2):
    return pl.pallas_call(
        _head_body,
        out_shape=jax.ShapeDtypeStruct((1, 10), jnp.float32),
    )(h, nsd, Wp1, bp1, Wp2, bp2)


def kernel(hx, edge_index, W1, b1, W2, b2, W3, b3, W4, b4, W5, b5, W6, b6,
           Wp1, bp1, Wp2, bp2):
    spread = N + (jnp.arange(EP - E, dtype=jnp.int32) % (NP - N))
    src3d = jnp.concatenate([edge_index[0], spread]).reshape(NW, NCH, CH)
    dst3d = jnp.concatenate([edge_index[1], spread]).reshape(NW, NCH, CH)
    hxp = jnp.concatenate(
        [hx, jnp.zeros((NP - N, hx.shape[1]), jnp.float32)], axis=0)

    z = _mm(hxp, W1)
    col = jnp.arange(8)
    consts = jnp.concatenate([
        jnp.broadcast_to((col < 4).astype(jnp.float32), (CH, 8)),
        jnp.broadcast_to(((col >= 4) & (col < 8)).astype(jnp.float32), (CH, 8)),
        jnp.zeros((RPS // 5, 8), jnp.float32),
    ])
    degp = _hist(src3d, dst3d, consts)
    y, nsd = _tc0(z, degp)

    Wstack = jnp.stack([jnp.eye(D, dtype=jnp.float32), W2, W3, W4, W5, W6])
    bstack = jnp.stack([b.reshape(1, D) for b in (b1, b2, b3, b4, b5, b6)])

    def step(y, wb):
        W, b = wb
        partials = _agg(y, src3d, dst3d)
        return _layer(partials, W, b, nsd), None

    y, _ = lax.scan(step, y, (Wstack, bstack))

    return _head(y, nsd, Wp1, bp1.reshape(1, D // 2), Wp2, bp2.reshape(1, 10))

# --- scband reference (transcript-rebuilt; emitter-appended) ---
"""Pipeline reference for scband-pre-embedding-47382079209473 (READ-ONLY COPY).

The authoritative reference and input builder live on the scoring server;
editing this copy changes nothing except your own understanding.
"""

import jax, jax.numpy as jnp
import numpy as np

N = 10000
E = 320000
IN_DIM = 128
OUT_DIM = 64
N_CLASS = 10


def _gconv(x, src, dst, W, b, norm_src, norm_dst):
    # Faithful to dgl.nn.GraphConv(norm='both', allow_zero_in_degree=True):
    # scale by out-degree^-1/2 at src, aggregate-sum to dst, scale by in-degree^-1/2, linear.
    x = x * norm_src[:, None]
    if x.shape[1] > W.shape[1]:
        # mult W first when in_feats > out_feats (dgl optimization)
        x = x @ W
        agg = jax.ops.segment_sum(x[src], dst, num_segments=N)
    else:
        agg = jax.ops.segment_sum(x[src], dst, num_segments=N)
        agg = agg @ W
    return agg * norm_dst[:, None] + b


def setup_inputs(seed: int = 0):
    key = jax.random.key(seed)
    ks = jax.random.split(key, 24)
    inp = {}
    inp["hx"] = jax.random.normal(ks[0], (N, IN_DIM), dtype=jnp.float32)
    inp["edge_index"] = jax.random.randint(ks[1], (2, E), 0, N, dtype=jnp.int32)
    dims = [(IN_DIM, OUT_DIM)] + [(OUT_DIM, OUT_DIM)] * 5
    for i, (di, do) in enumerate(dims):
        inp["W%d" % (i + 1)] = jax.random.normal(ks[2 + 2 * i], (di, do), dtype=jnp.float32) / np.sqrt(di)
        inp["b%d" % (i + 1)] = jnp.zeros((do,), dtype=jnp.float32)
    inp["Wp1"] = jax.random.normal(ks[14], (OUT_DIM, OUT_DIM // 2), dtype=jnp.float32) / np.sqrt(OUT_DIM)
    inp["bp1"] = jnp.zeros((OUT_DIM // 2,), dtype=jnp.float32)
    inp["Wp2"] = jax.random.normal(ks[15], (OUT_DIM // 2, N_CLASS), dtype=jnp.float32) / np.sqrt(OUT_DIM // 2)
    inp["bp2"] = jnp.zeros((N_CLASS,), dtype=jnp.float32)
    return inp


def reference(hx, edge_index, W1, b1, W2, b2, W3, b3, W4, b4, W5, b5, W6, b6, Wp1, bp1, Wp2, bp2):
    src = edge_index[0]
    dst = edge_index[1]
    ones = jnp.ones((E,), dtype=jnp.float32)
    deg_out = jnp.maximum(jax.ops.segment_sum(ones, src, num_segments=N), 1.0)
    deg_in = jnp.maximum(jax.ops.segment_sum(ones, dst, num_segments=N), 1.0)
    norm_src = deg_out ** -0.5
    norm_dst = deg_in ** -0.5
    Ws = [W1, W2, W3, W4, W5, W6]
    bs = [b1, b2, b3, b4, b5, b6]
    h = hx
    for W, b in zip(Ws, bs):
        h = jax.nn.relu(_gconv(h, src, dst, W, b, norm_src, norm_dst))
        # nn.Dropout(0.2) is identity in eval mode
    # dgl.mean_nodes over a single graph -> mean over all nodes, shape [1, out_dim]
    outs = jnp.mean(h, axis=0, keepdims=True)
    scores = jax.nn.relu(outs @ Wp1 + bp1) @ Wp2 + bp2
    # final update_all(copy_u('h','m'), sum('m','h')): mutates graph ndata in the
    # original (eweight=None branch); result is not part of the returned output
    _ = jax.ops.segment_sum(h[src], dst, num_segments=N)
    return scores

if __name__ == "__main__":
    import jax
    _d = setup_inputs()
    print(jax.jit(kernel)(*tuple(_d.values())))

</pallas_src>

<mosaic_0001>
#map = affine_map<(d0, d1) -> (0, 0, 0)>
#map1 = affine_map<(d0, d1) -> (0, 0)>
module attributes {stable_mosaic.version = 14 : i64} {
  func.func @_hist(%arg0: i32, %arg1: i32, %arg2: memref<32x80x128xi32, #tpu.memory_space<hbm>>, %arg3: memref<32x80x128xi32, #tpu.memory_space<hbm>>, %arg4: memref<384x8xf32, #tpu.memory_space<hbm>>, %arg5: memref<2x10240x8xf32, #tpu.memory_space<hbm>>, %arg6: memref<80x128xi32, #tpu.memory_space<vmem>>, %arg7: memref<80x128xi32, #tpu.memory_space<vmem>>, %arg8: memref<128x8xf32, #tpu.memory_space<vmem>>, %arg9: memref<128x8xf32, #tpu.memory_space<vmem>>, %arg10: memref<128x8xf32, #tpu.memory_space<vmem>>, %arg11: memref<10240x8xf32, #tpu.memory_space<vmem_shared>>, %arg12: memref<!tpu.dma_semaphore, #tpu.memory_space<semaphore_mem>>, %arg13: memref<!tpu.dma_semaphore, #tpu.memory_space<semaphore_mem>>) attributes {dimension_semantics = [#tpu.dimension_semantics<core_parallel>, #tpu.dimension_semantics<subcore_parallel>], iteration_bounds = array<i64: 2, 16>, scalar_prefetch = 0 : i64, scratch_operands = 8 : i64, tpu.core_type = #tpu.core_type<sc_vector_subcore>, window_params = [{transform_indices = #map}, {transform_indices = #map}, {transform_indices = #map1}, {transform_indices = #map}]} {
    %mul3A = arith.constant 16 : i32
    %mul3A_0 = arith.muli %arg0, %mul3A : i32
    %add3A = arith.addi %mul3A_0, %arg1 : i32
    "tpu.region"() ({
      %run_scoped3A = tpu.sem_alloc : memref<!tpu.dma_semaphore, #tpu.memory_space<semaphore_mem>>
      %dma_start3A = arith.constant 0 : i32
      %dma_start3A_140 = arith.constant 0 : i32
      %dma_start3A_141 = tpu.memref_slice %arg4[%dma_start3A, %dma_start3A_140] : memref<384x8xf32, #tpu.memory_space<hbm>> -> memref<128x8xf32, #tpu.memory_space<hbm>>
      %dma_start3A_142 = arith.constant 0 : i32
      %dma_start3A_143 = arith.constant 0 : i32
      %dma_start3A_144 = tpu.memref_slice %arg4[%dma_start3A_142, %dma_start3A_143] : memref<384x8xf32, #tpu.memory_space<hbm>> -> memref<128x8xf32, #tpu.memory_space<hbm>>
      tpu.enqueue_dma source(%dma_start3A_144 : memref<128x8xf32, #tpu.memory_space<hbm>>) target(%arg8 : memref<128x8xf32, #tpu.memory_space<vmem>>) target_semaphore(%run_scoped3A : memref<!tpu.dma_semaphore, #tpu.memory_space<semaphore_mem>>)
      %dma_wait3A_145 = arith.constant 0 : i32
      %dma_wait3A_146 = arith.constant 0 : i32
      %dma_wait3A_147 = tpu.memref_slice %arg4[%dma_wait3A_145, %dma_wait3A_146] : memref<384x8xf32, #tpu.memory_space<hbm>> -> memref<128x8xf32, #tpu.memory_space<hbm>>
      %dma_wait3A_148 = arith.constant 0 : i32
      %dma_wait3A_149 = arith.constant 0 : i32
      %dma_wait3A_150 = tpu.memref_slice %arg4[%dma_wait3A_148, %dma_wait3A_149] : memref<384x8xf32, #tpu.memory_space<hbm>> -> memref<128x8xf32, #tpu.memory_space<hbm>>
      tpu.wait_dma2 semaphore(%run_scoped3A : memref<!tpu.dma_semaphore, #tpu.memory_space<semaphore_mem>>) src(%dma_wait3A_150 : memref<128x8xf32, #tpu.memory_space<hbm>>) dst(%arg8 : memref<128x8xf32, #tpu.memory_space<vmem>>)
      tpu.yield
    }) : () -> ()
    "tpu.region"() ({
      %run_scoped3A = tpu.sem_alloc : memref<!tpu.dma_semaphore, #tpu.memory_space<semaphore_mem>>
      %dma_start3A = arith.constant 128 : i32
      %dma_start3A_140 = arith.constant 0 : i32
      %dma_start3A_141 = tpu.memref_slice %arg4[%dma_start3A, %dma_start3A_140] : memref<384x8xf32, #tpu.memory_space<hbm>> -> memref<128x8xf32, #tpu.memory_space<hbm>>
      %dma_start3A_142 = arith.constant 128 : i32
      %dma_start3A_143 = arith.constant 0 : i32
      %dma_start3A_144 = tpu.memref_slice %arg4[%dma_start3A_142, %dma_start3A_143] : memref<384x8xf32, #tpu.memory_space<hbm>> -> memref<128x8xf32, #tpu.memory_space<hbm>>
      tpu.enqueue_dma source(%dma_start3A_144 : memref<128x8xf32, #tpu.memory_space<hbm>>) target(%arg9 : memref<128x8xf32, #tpu.memory_space<vmem>>) target_semaphore(%run_scoped3A : memref<!tpu.dma_semaphore, #tpu.memory_space<semaphore_mem>>)
      %dma_wait3A_145 = arith.constant 128 : i32
      %dma_wait3A_146 = arith.constant 0 : i32
      %dma_wait3A_147 = tpu.memref_slice %arg4[%dma_wait3A_145, %dma_wait3A_146] : memref<384x8xf32, #tpu.memory_space<hbm>> -> memref<128x8xf32, #tpu.memory_space<hbm>>
      %dma_wait3A_148 = arith.constant 128 : i32
      %dma_wait3A_149 = arith.constant 0 : i32
      %dma_wait3A_150 = tpu.memref_slice %arg4[%dma_wait3A_148, %dma_wait3A_149] : memref<384x8xf32, #tpu.memory_space<hbm>> -> memref<128x8xf32, #tpu.memory_space<hbm>>
      tpu.wait_dma2 semaphore(%run_scoped3A : memref<!tpu.dma_semaphore, #tpu.memory_space<semaphore_mem>>) src(%dma_wait3A_150 : memref<128x8xf32, #tpu.memory_space<hbm>>) dst(%arg9 : memref<128x8xf32, #tpu.memory_space<vmem>>)
      tpu.yield
    }) : () -> ()
    "tpu.region"() ({
      %run_scoped3A = tpu.sem_alloc : memref<!tpu.dma_semaphore, #tpu.memory_space<semaphore_mem>>
      %dma_start3A = arith.constant 256 : i32
      %dma_start3A_140 = arith.constant 0 : i32
      %dma_start3A_141 = tpu.memref_slice %arg4[%dma_start3A, %dma_start3A_140] : memref<384x8xf32, #tpu.memory_space<hbm>> -> memref<128x8xf32, #tpu.memory_space<hbm>>
      %dma_start3A_142 = arith.constant 256 : i32
      %dma_start3A_143 = arith.constant 0 : i32
      %dma_start3A_144 = tpu.memref_slice %arg4[%dma_start3A_142, %dma_start3A_143] : memref<384x8xf32, #tpu.memory_space<hbm>> -> memref<128x8xf32, #tpu.memory_space<hbm>>
      tpu.enqueue_dma source(%dma_start3A_144 : memref<128x8xf32, #tpu.memory_space<hbm>>) target(%arg10 : memref<128x8xf32, #tpu.memory_space<vmem>>) target_semaphore(%run_scoped3A : memref<!tpu.dma_semaphore, #tpu.memory_space<semaphore_mem>>)
      %dma_wait3A_145 = arith.constant 256 : i32
      %dma_wait3A_146 = arith.constant 0 : i32
      %dma_wait3A_147 = tpu.memref_slice %arg4[%dma_wait3A_145, %dma_wait3A_146] : memref<384x8xf32, #tpu.memory_space<hbm>> -> memref<128x8xf32, #tpu.memory_space<hbm>>
      %dma_wait3A_148 = arith.constant 256 : i32
      %dma_wait3A_149 = arith.constant 0 : i32
      %dma_wait3A_150 = tpu.memref_slice %arg4[%dma_wait3A_148, %dma_wait3A_149] : memref<384x8xf32, #tpu.memory_space<hbm>> -> memref<128x8xf32, #tpu.memory_space<hbm>>
      tpu.wait_dma2 semaphore(%run_scoped3A : memref<!tpu.dma_semaphore, #tpu.memory_space<semaphore_mem>>) src(%dma_wait3A_150 : memref<128x8xf32, #tpu.memory_space<hbm>>) dst(%arg10 : memref<128x8xf32, #tpu.memory_space<vmem>>)
      tpu.yield
    }) : () -> ()
    %mul3A_1 = arith.constant 640 : i32
    %mul3A_2 = arith.muli %arg1, %mul3A_1 : i32
    %add3A_3 = arith.constant 0 : i32
    %add3A_4 = arith.addi %mul3A_2, %add3A_3 : i32
    "tpu.region"() ({
      %run_scoped3A = tpu.sem_alloc : memref<!tpu.dma_semaphore, #tpu.memory_space<semaphore_mem>>
      %dma_start3A = arith.constant 0 : i32
      %dma_start3A_140 = tpu.memref_slice %arg11[%add3A_4, %dma_start3A] : memref<10240x8xf32, #tpu.memory_space<vmem_shared>> -> memref<128x8xf32, #tpu.memory_space<vmem_shared>>
      %dma_start3A_141 = arith.constant 0 : i32
      %dma_start3A_142 = tpu.memref_slice %arg11[%add3A_4, %dma_start3A_141] : memref<10240x8xf32, #tpu.memory_space<vmem_shared>> -> memref<128x8xf32, #tpu.memory_space<vmem_shared>>
      tpu.enqueue_dma source(%arg10 : memref<128x8xf32, #tpu.memory_space<vmem>>) target(%dma_start3A_142 : memref<128x8xf32, #tpu.memory_space<vmem_shared>>) target_semaphore(%run_scoped3A : memref<!tpu.dma_semaphore, #tpu.memory_space<semaphore_mem>>)
      %dma_wait3A_143 = arith.constant 0 : i32
      %dma_wait3A_144 = tpu.memref_slice %arg11[%add3A_4, %dma_wait3A_143] : memref<10240x8xf32, #tpu.memory_space<vmem_shared>> -> memref<128x8xf32, #tpu.memory_space<vmem_shared>>
      %dma_wait3A_145 = arith.constant 0 : i32
      %dma_wait3A_146 = tpu.memref_slice %arg11[%add3A_4, %dma_wait3A_145] : memref<10240x8xf32, #tpu.memory_space<vmem_shared>> -> memref<128x8xf32, #tpu.memory_space<vmem_shared>>
      tpu.wait_dma2 semaphore(%run_scoped3A : memref<!tpu.dma_semaphore, #tpu.memory_space<semaphore_mem>>) src(%arg10 : memref<128x8xf32, #tpu.memory_space<vmem>>) dst(%dma_wait3A_146 : memref<128x8xf32, #tpu.memory_space<vmem_shared>>)
      tpu.yield
    }) : () -> ()
    %mul3A_5 = arith.constant 640 : i32
    %mul3A_6 = arith.muli %arg1, %mul3A_5 : i32
    %add3A_7 = arith.constant 128 : i32
    %add3A_8 = arith.addi %mul3A_6, %add3A_7 : i32
    "tpu.region"() ({
      %run_scoped3A = tpu.sem_alloc : memref<!tpu.dma_semaphore, #tpu.memory_space<semaphore_mem>>
      %dma_start3A = arith.constant 0 : i32
      %dma_start3A_140 = tpu.memref_slice %arg11[%add3A_8, %dma_start3A] : memref<10240x8xf32, #tpu.memory_space<vmem_shared>> -> memref<128x8xf32, #tpu.memory_space<vmem_shared>>
      %dma_start3A_141 = arith.constant 0 : i32
      %dma_start3A_142 = tpu.memref_slice %arg11[%add3A_8, %dma_start3A_141] : memref<10240x8xf32, #tpu.memory_space<vmem_shared>> -> memref<128x8xf32, #tpu.memory_space<vmem_shared>>
      tpu.enqueue_dma source(%arg10 : memref<128x8xf32, #tpu.memory_space<vmem>>) target(%dma_start3A_142 : memref<128x8xf32, #tpu.memory_space<vmem_shared>>) target_semaphore(%run_scoped3A : memref<!tpu.dma_semaphore, #tpu.memory_space<semaphore_mem>>)
      %dma_wait3A_143 = arith.constant 0 : i32
      %dma_wait3A_144 = tpu.memref_slice %arg11[%add3A_8, %dma_wait3A_143] : memref<10240x8xf32, #tpu.memory_space<vmem_shared>> -> memref<128x8xf32, #tpu.memory_space<vmem_shared>>
      %dma_wait3A_145 = arith.constant 0 : i32
      %dma_wait3A_146 = tpu.memref_slice %arg11[%add3A_8, %dma_wait3A_145] : memref<10240x8xf32, #tpu.memory_space<vmem_shared>> -> memref<128x8xf32, #tpu.memory_space<vmem_shared>>
      tpu.wait_dma2 semaphore(%run_scoped3A : memref<!tpu.dma_semaphore, #tpu.memory_space<semaphore_mem>>) src(%arg10 : memref<128x8xf32, #tpu.memory_space<vmem>>) dst(%dma_wait3A_146 : memref<128x8xf32, #tpu.memory_space<vmem_shared>>)
      tpu.yield
    }) : () -> ()
    %mul3A_9 = arith.constant 640 : i32
    %mul3A_10 = arith.muli %arg1, %mul3A_9 : i32
    %add3A_11 = arith.constant 256 : i32
    %add3A_12 = arith.addi %mul3A_10, %add3A_11 : i32
    "tpu.region"() ({
      %run_scoped3A = tpu.sem_alloc : memref<!tpu.dma_semaphore, #tpu.memory_space<semaphore_mem>>
      %dma_start3A = arith.constant 0 : i32
      %dma_start3A_140 = tpu.memref_slice %arg11[%add3A_12, %dma_start3A] : memref<10240x8xf32, #tpu.memory_space<vmem_shared>> -> memref<128x8xf32, #tpu.memory_space<vmem_shared>>
      %dma_start3A_141 = arith.constant 0 : i32
      %dma_start3A_142 = tpu.memref_slice %arg11[%add3A_12, %dma_start3A_141] : memref<10240x8xf32, #tpu.memory_space<vmem_shared>> -> memref<128x8xf32, #tpu.memory_space<vmem_shared>>
      tpu.enqueue_dma source(%arg10 : memref<128x8xf32, #tpu.memory_space<vmem>>) target(%dma_start3A_142 : memref<128x8xf32, #tpu.memory_space<vmem_shared>>) target_semaphore(%run_scoped3A : memref<!tpu.dma_semaphore, #tpu.memory_space<semaphore_mem>>)
      %dma_wait3A_143 = arith.constant 0 : i32
      %dma_wait3A_144 = tpu.memref_slice %arg11[%add3A_12, %dma_wait3A_143] : memref<10240x8xf32, #tpu.memory_space<vmem_shared>> -> memref<128x8xf32, #tpu.memory_space<vmem_shared>>
      %dma_wait3A_145 = arith.constant 0 : i32
      %dma_wait3A_146 = tpu.memref_slice %arg11[%add3A_12, %dma_wait3A_145] : memref<10240x8xf32, #tpu.memory_space<vmem_shared>> -> memref<128x8xf32, #tpu.memory_space<vmem_shared>>
      tpu.wait_dma2 semaphore(%run_scoped3A : memref<!tpu.dma_semaphore, #tpu.memory_space<semaphore_mem>>) src(%arg10 : memref<128x8xf32, #tpu.memory_space<vmem>>) dst(%dma_wait3A_146 : memref<128x8xf32, #tpu.memory_space<vmem_shared>>)
      tpu.yield
    }) : () -> ()
    %mul3A_13 = arith.constant 640 : i32
    %mul3A_14 = arith.muli %arg1, %mul3A_13 : i32
    %add3A_15 = arith.constant 384 : i32
    %add3A_16 = arith.addi %mul3A_14, %add3A_15 : i32
    "tpu.region"() ({
      %run_scoped3A = tpu.sem_alloc : memref<!tpu.dma_semaphore, #tpu.memory_space<semaphore_mem>>
      %dma_start3A = arith.constant 0 : i32
      %dma_start3A_140 = tpu.memref_slice %arg11[%add3A_16, %dma_start3A] : memref<10240x8xf32, #tpu.memory_space<vmem_shared>> -> memref<128x8xf32, #tpu.memory_space<vmem_shared>>
      %dma_start3A_141 = arith.constant 0 : i32
      %dma_start3A_142 = tpu.memref_slice %arg11[%add3A_16, %dma_start3A_141] : memref<10240x8xf32, #tpu.memory_space<vmem_shared>> -> memref<128x8xf32, #tpu.memory_space<vmem_shared>>
      tpu.enqueue_dma source(%arg10 : memref<128x8xf32, #tpu.memory_space<vmem>>) target(%dma_start3A_142 : memref<128x8xf32, #tpu.memory_space<vmem_shared>>) target_semaphore(%run_scoped3A : memref<!tpu.dma_semaphore, #tpu.memory_space<semaphore_mem>>)
      %dma_wait3A_143 = arith.constant 0 : i32
      %dma_wait3A_144 = tpu.memref_slice %arg11[%add3A_16, %dma_wait3A_143] : memref<10240x8xf32, #tpu.memory_space<vmem_shared>> -> memref<128x8xf32, #tpu.memory_space<vmem_shared>>
      %dma_wait3A_145 = arith.constant 0 : i32
      %dma_wait3A_146 = tpu.memref_slice %arg11[%add3A_16, %dma_wait3A_145] : memref<10240x8xf32, #tpu.memory_space<vmem_shared>> -> memref<128x8xf32, #tpu.memory_space<vmem_shared>>
      tpu.wait_dma2 semaphore(%run_scoped3A : memref<!tpu.dma_semaphore, #tpu.memory_space<semaphore_mem>>) src(%arg10 : memref<128x8xf32, #tpu.memory_space<vmem>>) dst(%dma_wait3A_146 : memref<128x8xf32, #tpu.memory_space<vmem_shared>>)
      tpu.yield
    }) : () -> ()
    %mul3A_17 = arith.constant 640 : i32
    %mul3A_18 = arith.muli %arg1, %mul3A_17 : i32
    %add3A_19 = arith.constant 512 : i32
    %add3A_20 = arith.addi %mul3A_18, %add3A_19 : i32
    "tpu.region"() ({
      %run_scoped3A = tpu.sem_alloc : memref<!tpu.dma_semaphore, #tpu.memory_space<semaphore_mem>>
      %dma_start3A = arith.constant 0 : i32
      %dma_start3A_140 = tpu.memref_slice %arg11[%add3A_20, %dma_start3A] : memref<10240x8xf32, #tpu.memory_space<vmem_shared>> -> memref<128x8xf32, #tpu.memory_space<vmem_shared>>
      %dma_start3A_141 = arith.constant 0 : i32
      %dma_start3A_142 = tpu.memref_slice %arg11[%add3A_20, %dma_start3A_141] : memref<10240x8xf32, #tpu.memory_space<vmem_shared>> -> memref<128x8xf32, #tpu.memory_space<vmem_shared>>
      tpu.enqueue_dma source(%arg10 : memref<128x8xf32, #tpu.memory_space<vmem>>) target(%dma_start3A_142 : memref<128x8xf32, #tpu.memory_space<vmem_shared>>) target_semaphore(%run_scoped3A : memref<!tpu.dma_semaphore, #tpu.memory_space<semaphore_mem>>)
      %dma_wait3A_143 = arith.constant 0 : i32
      %dma_wait3A_144 = tpu.memref_slice %arg11[%add3A_20, %dma_wait3A_143] : memref<10240x8xf32, #tpu.memory_space<vmem_shared>> -> memref<128x8xf32, #tpu.memory_space<vmem_shared>>
      %dma_wait3A_145 = arith.constant 0 : i32
      %dma_wait3A_146 = tpu.memref_slice %arg11[%add3A_20, %dma_wait3A_145] : memref<10240x8xf32, #tpu.memory_space<vmem_shared>> -> memref<128x8xf32, #tpu.memory_space<vmem_shared>>
      tpu.wait_dma2 semaphore(%run_scoped3A : memref<!tpu.dma_semaphore, #tpu.memory_space<semaphore_mem>>) src(%arg10 : memref<128x8xf32, #tpu.memory_space<vmem>>) dst(%dma_wait3A_146 : memref<128x8xf32, #tpu.memory_space<vmem_shared>>)
      tpu.yield
    }) : () -> ()
    "tpu.region"() ({
      %run_scoped3A = tpu.sem_alloc : memref<!tpu.dma_semaphore, #tpu.memory_space<semaphore_mem>>
      %dma_start3A = arith.constant 0 : i32
      %dma_start3A_140 = arith.constant 0 : i32
      %dma_start3A_141 = tpu.memref_slice %arg2[%add3A, %dma_start3A, %dma_start3A_140] : memref<32x80x128xi32, #tpu.memory_space<hbm>> -> memref<1x80x128xi32, #tpu.memory_space<hbm>>
      %dma_start3A_142 = tpu.memref_squeeze %dma_start3A_141 : memref<1x80x128xi32, #tpu.memory_space<hbm>> -> memref<80x128xi32, #tpu.memory_space<hbm>>
      %dma_start3A_143 = arith.constant 0 : i32
      %dma_start3A_144 = arith.constant 0 : i32
      %dma_start3A_145 = tpu.memref_slice %arg2[%add3A, %dma_start3A_143, %dma_start3A_144] : memref<32x80x128xi32, #tpu.memory_space<hbm>> -> memref<1x80x128xi32, #tpu.memory_space<hbm>>
      %dma_start3A_146 = tpu.memref_squeeze %dma_start3A_145 : memref<1x80x128xi32, #tpu.memory_space<hbm>> -> memref<80x128xi32, #tpu.memory_space<hbm>>
      tpu.enqueue_dma source(%dma_start3A_146 : memref<80x128xi32, #tpu.memory_space<hbm>>) target(%arg6 : memref<80x128xi32, #tpu.memory_space<vmem>>) target_semaphore(%run_scoped3A : memref<!tpu.dma_semaphore, #tpu.memory_space<semaphore_mem>>)
      %dma_wait3A_147 = arith.constant 0 : i32
      %dma_wait3A_148 = arith.constant 0 : i32
      %dma_wait3A_149 = tpu.memref_slice %arg2[%add3A, %dma_wait3A_147, %dma_wait3A_148] : memref<32x80x128xi32, #tpu.memory_space<hbm>> -> memref<1x80x128xi32, #tpu.memory_space<hbm>>
      %dma_wait3A_150 = tpu.memref_squeeze %dma_wait3A_149 : memref<1x80x128xi32, #tpu.memory_space<hbm>> -> memref<80x128xi32, #tpu.memory_space<hbm>>
      %dma_wait3A_151 = arith.constant 0 : i32
      %dma_wait3A_152 = arith.constant 0 : i32
      %dma_wait3A_153 = tpu.memref_slice %arg2[%add3A, %dma_wait3A_151, %dma_wait3A_152] : memref<32x80x128xi32, #tpu.memory_space<hbm>> -> memref<1x80x128xi32, #tpu.memory_space<hbm>>
      %dma_wait3A_154 = tpu.memref_squeeze %dma_wait3A_153 : memref<1x80x128xi32, #tpu.memory_space<hbm>> -> memref<80x128xi32, #tpu.memory_space<hbm>>
      tpu.wait_dma2 semaphore(%run_scoped3A : memref<!tpu.dma_semaphore, #tpu.memory_space<semaphore_mem>>) src(%dma_wait3A_154 : memref<80x128xi32, #tpu.memory_space<hbm>>) dst(%arg6 : memref<80x128xi32, #tpu.memory_space<vmem>>)
      tpu.yield
    }) : () -> ()
    "tpu.region"() ({
      %run_scoped3A = tpu.sem_alloc : memref<!tpu.dma_semaphore, #tpu.memory_space<semaphore_mem>>
      %dma_start3A = arith.constant 0 : i32
      %dma_start3A_140 = arith.constant 0 : i32
      %dma_start3A_141 = tpu.memref_slice %arg3[%add3A, %dma_start3A, %dma_start3A_140] : memref<32x80x128xi32, #tpu.memory_space<hbm>> -> memref<1x80x128xi32, #tpu.memory_space<hbm>>
      %dma_start3A_142 = tpu.memref_squeeze %dma_start3A_141 : memref<1x80x128xi32, #tpu.memory_space<hbm>> -> memref<80x128xi32, #tpu.memory_space<hbm>>
      %dma_start3A_143 = arith.constant 0 : i32
      %dma_start3A_144 = arith.constant 0 : i32
      %dma_start3A_145 = tpu.memref_slice %arg3[%add3A, %dma_start3A_143, %dma_start3A_144] : memref<32x80x128xi32, #tpu.memory_space<hbm>> -> memref<1x80x128xi32, #tpu.memory_space<hbm>>
      %dma_start3A_146 = tpu.memref_squeeze %dma_start3A_145 : memref<1x80x128xi32, #tpu.memory_space<hbm>> -> memref<80x128xi32, #tpu.memory_space<hbm>>
      tpu.enqueue_dma source(%dma_start3A_146 : memref<80x128xi32, #tpu.memory_space<hbm>>) target(%arg7 : memref<80x128xi32, #tpu.memory_space<vmem>>) target_semaphore(%run_scoped3A : memref<!tpu.dma_semaphore, #tpu.memory_space<semaphore_mem>>)
      %dma_wait3A_147 = arith.constant 0 : i32
      %dma_wait3A_148 = arith.constant 0 : i32
      %dma_wait3A_149 = tpu.memref_slice %arg3[%add3A, %dma_wait3A_147, %dma_wait3A_148] : memref<32x80x128xi32, #tpu.memory_space<hbm>> -> memref<1x80x128xi32, #tpu.memory_space<hbm>>
      %dma_wait3A_150 = tpu.memref_squeeze %dma_wait3A_149 : memref<1x80x128xi32, #tpu.memory_space<hbm>> -> memref<80x128xi32, #tpu.memory_space<hbm>>
      %dma_wait3A_151 = arith.constant 0 : i32
      %dma_wait3A_152 = arith.constant 0 : i32
      %dma_wait3A_153 = tpu.memref_slice %arg3[%add3A, %dma_wait3A_151, %dma_wait3A_152] : memref<32x80x128xi32, #tpu.memory_space<hbm>> -> memref<1x80x128xi32, #tpu.memory_space<hbm>>
      %dma_wait3A_154 = tpu.memref_squeeze %dma_wait3A_153 : memref<1x80x128xi32, #tpu.memory_space<hbm>> -> memref<80x128xi32, #tpu.memory_space<hbm>>
      tpu.wait_dma2 semaphore(%run_scoped3A : memref<!tpu.dma_semaphore, #tpu.memory_space<semaphore_mem>>) src(%dma_wait3A_154 : memref<80x128xi32, #tpu.memory_space<hbm>>) dst(%arg7 : memref<80x128xi32, #tpu.memory_space<vmem>>)
      tpu.yield
    }) : () -> ()
    %barrier3A = arith.constant 0 : index
    tpu.barrier barrier_id(%barrier3A)
    %scan3A = arith.constant 0 : i32
    %scan3A_21 = arith.constant 0 : i32
    %scan3A_22 = arith.constant 80 : i32
    %scan3A_23 = arith.addi %scan3A_21, %scan3A_22 : i32
    %scan3A_24 = arith.constant 1 : i32
    scf.for %scan3A_140 = %scan3A_21 to %scan3A_23 step %scan3A_24  : i32 {
      %dma_start3A = arith.constant 0 : i32
      %dma_start3A_141 = tpu.memref_slice %arg6[%scan3A_140, %dma_start3A] : memref<80x128xi32, #tpu.memory_space<vmem>> -> memref<1x128xi32, #tpu.memory_space<vmem>>
      %dma_start3A_142 = tpu.memref_squeeze %dma_start3A_141 : memref<1x128xi32, #tpu.memory_space<vmem>> -> memref<128xi32, #tpu.memory_space<vmem>>
      %dma_start3A_143 = arith.constant 0 : i32
      %dma_start3A_144 = arith.constant 0 : i32
      %dma_start3A_145 = tpu.memref_slice %arg11[%dma_start3A_143, %dma_start3A_144] : memref<10240x8xf32, #tpu.memory_space<vmem_shared>> -> memref<10240x8xf32, #tpu.memory_space<vmem_shared>>
      tpu.enqueue_indirect_dma source(%arg8 : memref<128x8xf32, #tpu.memory_space<vmem>>) target(%dma_start3A_145 : memref<10240x8xf32, #tpu.memory_space<vmem_shared>>) offsets(%dma_start3A_142 : memref<128xi32, #tpu.memory_space<vmem>>) semaphore(%arg12 : memref<!tpu.dma_semaphore, #tpu.memory_space<semaphore_mem>>) {add = true}
      %dma_start3A_146 = arith.constant 0 : i32
      %dma_start3A_147 = tpu.memref_slice %arg7[%scan3A_140, %dma_start3A_146] : memref<80x128xi32, #tpu.memory_space<vmem>> -> memref<1x128xi32, #tpu.memory_space<vmem>>
      %dma_start3A_148 = tpu.memref_squeeze %dma_start3A_147 : memref<1x128xi32, #tpu.memory_space<vmem>> -> memref<128xi32, #tpu.memory_space<vmem>>
      %dma_start3A_149 = arith.constant 0 : i32
      %dma_start3A_150 = arith.constant 0 : i32
      %dma_start3A_151 = tpu.memref_slice %arg11[%dma_start3A_149, %dma_start3A_150] : memref<10240x8xf32, #tpu.memory_space<vmem_shared>> -> memref<10240x8xf32, #tpu.memory_space<vmem_shared>>
      tpu.enqueue_indirect_dma source(%arg9 : memref<128x8xf32, #tpu.memory_space<vmem>>) target(%dma_start3A_151 : memref<10240x8xf32, #tpu.memory_space<vmem_shared>>) offsets(%dma_start3A_148 : memref<128xi32, #tpu.memory_space<vmem>>) semaphore(%arg13 : memref<!tpu.dma_semaphore, #tpu.memory_space<semaphore_mem>>) {add = true}
      %ge3A = arith.constant 8 : i32
      %ge3A_152 = arith.cmpi sge, %scan3A_140, %ge3A : i32
      %convert_element_type3A = arith.extui %ge3A_152 : i1 to i32
      %cond3A = arith.constant 0 : i32
      %cond3A_153 = arith.cmpi ne, %convert_element_type3A, %cond3A : i32
      scf.if %cond3A_153 {
        %dma_wait3A_154 = arith.constant 0 : i32
        %dma_wait3A_155 = arith.constant 0 : i32
        %dma_wait3A_156 = tpu.memref_slice %arg6[%dma_wait3A_154, %dma_wait3A_155] : memref<80x128xi32, #tpu.memory_space<vmem>> -> memref<1x128xi32, #tpu.memory_space<vmem>>
        %dma_wait3A_157 = tpu.memref_squeeze %dma_wait3A_156 : memref<1x128xi32, #tpu.memory_space<vmem>> -> memref<128xi32, #tpu.memory_space<vmem>>
        %dma_wait3A_158 = arith.constant 0 : i32
        %dma_wait3A_159 = arith.constant 0 : i32
        %dma_wait3A_160 = tpu.memref_slice %arg11[%dma_wait3A_158, %dma_wait3A_159] : memref<10240x8xf32, #tpu.memory_space<vmem_shared>> -> memref<10240x8xf32, #tpu.memory_space<vmem_shared>>
        tpu.wait_indirect_dma semaphore(%arg12 : memref<!tpu.dma_semaphore, #tpu.memory_space<semaphore_mem>>) src(%arg8 : memref<128x8xf32, #tpu.memory_space<vmem>>) dst(%dma_wait3A_160 : memref<10240x8xf32, #tpu.memory_space<vmem_shared>>)
        %dma_wait3A_161 = arith.constant 0 : i32
        %dma_wait3A_162 = arith.constant 0 : i32
        %dma_wait3A_163 = tpu.memref_slice %arg7[%dma_wait3A_161, %dma_wait3A_162] : memref<80x128xi32, #tpu.memory_space<vmem>> -> memref<1x128xi32, #tpu.memory_space<vmem>>
        %dma_wait3A_164 = tpu.memref_squeeze %dma_wait3A_163 : memref<1x128xi32, #tpu.memory_space<vmem>> -> memref<128xi32, #tpu.memory_space<vmem>>
        %dma_wait3A_165 = arith.constant 0 : i32
        %dma_wait3A_166 = arith.constant 0 : i32
        %dma_wait3A_167 = tpu.memref_slice %arg11[%dma_wait3A_165, %dma_wait3A_166] : memref<10240x8xf32, #tpu.memory_space<vmem_shared>> -> memref<10240x8xf32, #tpu.memory_space<vmem_shared>>
        tpu.wait_indirect_dma semaphore(%arg13 : memref<!tpu.dma_semaphore, #tpu.memory_space<semaphore_mem>>) src(%arg9 : memref<128x8xf32, #tpu.memory_space<vmem>>) dst(%dma_wait3A_167 : memref<10240x8xf32, #tpu.memory_space<vmem_shared>>)
      } else {
      }
    }
    %scan3A_25 = arith.constant 80 : i32
    %dma_wait3A = arith.constant 0 : i32
    %dma_wait3A_26 = arith.constant 0 : i32
    %dma_wait3A_27 = tpu.memref_slice %arg6[%dma_wait3A, %dma_wait3A_26] : memref<80x128xi32, #tpu.memory_space<vmem>> -> memref<1x128xi32, #tpu.memory_space<vmem>>
    %dma_wait3A_28 = tpu.memref_squeeze %dma_wait3A_27 : memref<1x128xi32, #tpu.memory_space<vmem>> -> memref<128xi32, #tpu.memory_space<vmem>>
    %dma_wait3A_29 = arith.constant 0 : i32
    %dma_wait3A_30 = arith.constant 0 : i32
    %dma_wait3A_31 = tpu.memref_slice %arg11[%dma_wait3A_29, %dma_wait3A_30] : memref<10240x8xf32, #tpu.memory_space<vmem_shared>> -> memref<10240x8xf32, #tpu.memory_space<vmem_shared>>
    tpu.wait_indirect_dma semaphore(%arg12 : memref<!tpu.dma_semaphore, #tpu.memory_space<semaphore_mem>>) src(%arg8 : memref<128x8xf32, #tpu.memory_space<vmem>>) dst(%dma_wait3A_31 : memref<10240x8xf32, #tpu.memory_space<vmem_shared>>)
    %dma_wait3A_32 = arith.constant 0 : i32
    %dma_wait3A_33 = arith.constant 0 : i32
    %dma_wait3A_34 = tpu.memref_slice %arg7[%dma_wait3A_32, %dma_wait3A_33] : memref<80x128xi32, #tpu.memory_space<vmem>> -> memref<1x128xi32, #tpu.memory_space<vmem>>
    %dma_wait3A_35 = tpu.memref_squeeze %dma_wait3A_34 : memref<1x128xi32, #tpu.memory_space<vmem>> -> memref<128xi32, #tpu.memory_space<vmem>>
    %dma_wait3A_36 = arith.constant 0 : i32
    %dma_wait3A_37 = arith.constant 0 : i32
    %dma_wait3A_38 = tpu.memref_slice %arg11[%dma_wait3A_36, %dma_wait3A_37] : memref<10240x8xf32, #tpu.memory_space<vmem_shared>> -> memref<10240x8xf32, #tpu.memory_space<vmem_shared>>
    tpu.wait_indirect_dma semaphore(%arg13 : memref<!tpu.dma_semaphore, #tpu.memory_space<semaphore_mem>>) src(%arg9 : memref<128x8xf32, #tpu.memory_space<vmem>>) dst(%dma_wait3A_38 : memref<10240x8xf32, #tpu.memory_space<vmem_shared>>)
    %dma_wait3A_39 = arith.constant 0 : i32
    %dma_wait3A_40 = arith.constant 0 : i32
    %dma_wait3A_41 = tpu.memref_slice %arg6[%dma_wait3A_39, %dma_wait3A_40] : memref<80x128xi32, #tpu.memory_space<vmem>> -> memref<1x128xi32, #tpu.memory_space<vmem>>
    %dma_wait3A_42 = tpu.memref_squeeze %dma_wait3A_41 : memref<1x128xi32, #tpu.memory_space<vmem>> -> memref<128xi32, #tpu.memory_space<vmem>>
    %dma_wait3A_43 = arith.constant 0 : i32
    %dma_wait3A_44 = arith.constant 0 : i32
    %dma_wait3A_45 = tpu.memref_slice %arg11[%dma_wait3A_43, %dma_wait3A_44] : memref<10240x8xf32, #tpu.memory_space<vmem_shared>> -> memref<10240x8xf32, #tpu.memory_space<vmem_shared>>
    tpu.wait_indirect_dma semaphore(%arg12 : memref<!tpu.dma_semaphore, #tpu.memory_space<semaphore_mem>>) src(%arg8 : memref<128x8xf32, #tpu.memory_space<vmem>>) dst(%dma_wait3A_45 : memref<10240x8xf32, #tpu.memory_space<vmem_shared>>)
    %dma_wait3A_46 = arith.constant 0 : i32
    %dma_wait3A_47 = arith.constant 0 : i32
    %dma_wait3A_48 = tpu.memref_slice %arg7[%dma_wait3A_46, %dma_wait3A_47] : memref<80x128xi32, #tpu.memory_space<vmem>> -> memref<1x128xi32, #tpu.memory_space<vmem>>
    %dma_wait3A_49 = tpu.memref_squeeze %dma_wait3A_48 : memref<1x128xi32, #tpu.memory_space<vmem>> -> memref<128xi32, #tpu.memory_space<vmem>>
    %dma_wait3A_50 = arith.constant 0 : i32
    %dma_wait3A_51 = arith.constant 0 : i32
    %dma_wait3A_52 = tpu.memref_slice %arg11[%dma_wait3A_50, %dma_wait3A_51] : memref<10240x8xf32, #tpu.memory_space<vmem_shared>> -> memref<10240x8xf32, #tpu.memory_space<vmem_shared>>
    tpu.wait_indirect_dma semaphore(%arg13 : memref<!tpu.dma_semaphore, #tpu.memory_space<semaphore_mem>>) src(%arg9 : memref<128x8xf32, #tpu.memory_space<vmem>>) dst(%dma_wait3A_52 : memref<10240x8xf32, #tpu.memory_space<vmem_shared>>)
    %dma_wait3A_53 = arith.constant 0 : i32
    %dma_wait3A_54 = arith.constant 0 : i32
    %dma_wait3A_55 = tpu.memref_slice %arg6[%dma_wait3A_53, %dma_wait3A_54] : memref<80x128xi32, #tpu.memory_space<vmem>> -> memref<1x128xi32, #tpu.memory_space<vmem>>
    %dma_wait3A_56 = tpu.memref_squeeze %dma_wait3A_55 : memref<1x128xi32, #tpu.memory_space<vmem>> -> memref<128xi32, #tpu.memory_space<vmem>>
    %dma_wait3A_57 = arith.constant 0 : i32
    %dma_wait3A_58 = arith.constant 0 : i32
    %dma_wait3A_59 = tpu.memref_slice %arg11[%dma_wait3A_57, %dma_wait3A_58] : memref<10240x8xf32, #tpu.memory_space<vmem_shared>> -> memref<10240x8xf32, #tpu.memory_space<vmem_shared>>
    tpu.wait_indirect_dma semaphore(%arg12 : memref<!tpu.dma_semaphore, #tpu.memory_space<semaphore_mem>>) src(%arg8 : memref<128x8xf32, #tpu.memory_space<vmem>>) dst(%dma_wait3A_59 : memref<10240x8xf32, #tpu.memory_space<vmem_shared>>)
    %dma_wait3A_60 = arith.constant 0 : i32
    %dma_wait3A_61 = arith.constant 0 : i32
    %dma_wait3A_62 = tpu.memref_slice %arg7[%dma_wait3A_60, %dma_wait3A_61] : memref<80x128xi32, #tpu.memory_space<vmem>> -> memref<1x128xi32, #tpu.memory_space<vmem>>
    %dma_wait3A_63 = tpu.memref_squeeze %dma_wait3A_62 : memref<1x128xi32, #tpu.memory_space<vmem>> -> memref<128xi32, #tpu.memory_space<vmem>>
    %dma_wait3A_64 = arith.constant 0 : i32
    %dma_wait3A_65 = arith.constant 0 : i32
    %dma_wait3A_66 = tpu.memref_slice %arg11[%dma_wait3A_64, %dma_wait3A_65] : memref<10240x8xf32, #tpu.memory_space<vmem_shared>> -> memref<10240x8xf32, #tpu.memory_space<vmem_shared>>
    tpu.wait_indirect_dma semaphore(%arg13 : memref<!tpu.dma_semaphore, #tpu.memory_space<semaphore_mem>>) src(%arg9 : memref<128x8xf32, #tpu.memory_space<vmem>>) dst(%dma_wait3A_66 : memref<10240x8xf32, #tpu.memory_space<vmem_shared>>)
    %dma_wait3A_67 = arith.constant 0 : i32
    %dma_wait3A_68 = arith.constant 0 : i32
    %dma_wait3A_69 = tpu.memref_slice %arg6[%dma_wait3A_67, %dma_wait3A_68] : memref<80x128xi32, #tpu.memory_space<vmem>> -> memref<1x128xi32, #tpu.memory_space<vmem>>
    %dma_wait3A_70 = tpu.memref_squeeze %dma_wait3A_69 : memref<1x128xi32, #tpu.memory_space<vmem>> -> memref<128xi32, #tpu.memory_space<vmem>>
    %dma_wait3A_71 = arith.constant 0 : i32
    %dma_wait3A_72 = arith.constant 0 : i32
    %dma_wait3A_73 = tpu.memref_slice %arg11[%dma_wait3A_71, %dma_wait3A_72] : memref<10240x8xf32, #tpu.memory_space<vmem_shared>> -> memref<10240x8xf32, #tpu.memory_space<vmem_shared>>
    tpu.wait_indirect_dma semaphore(%arg12 : memref<!tpu.dma_semaphore, #tpu.memory_space<semaphore_mem>>) src(%arg8 : memref<128x8xf32, #tpu.memory_space<vmem>>) dst(%dma_wait3A_73 : memref<10240x8xf32, #tpu.memory_space<vmem_shared>>)
    %dma_wait3A_74 = arith.constant 0 : i32
    %dma_wait3A_75 = arith.constant 0 : i32
    %dma_wait3A_76 = tpu.memref_slice %arg7[%dma_wait3A_74, %dma_wait3A_75] : memref<80x128xi32, #tpu.memory_space<vmem>> -> memref<1x128xi32, #tpu.memory_space<vmem>>
    %dma_wait3A_77 = tpu.memref_squeeze %dma_wait3A_76 : memref<1x128xi32, #tpu.memory_space<vmem>> -> memref<128xi32, #tpu.memory_space<vmem>>
    %dma_wait3A_78 = arith.constant 0 : i32
    %dma_wait3A_79 = arith.constant 0 : i32
    %dma_wait3A_80 = tpu.memref_slice %arg11[%dma_wait3A_78, %dma_wait3A_79] : memref<10240x8xf32, #tpu.memory_space<vmem_shared>> -> memref<10240x8xf32, #tpu.memory_space<vmem_shared>>
    tpu.wait_indirect_dma semaphore(%arg13 : memref<!tpu.dma_semaphore, #tpu.memory_space<semaphore_mem>>) src(%arg9 : memref<128x8xf32, #tpu.memory_space<vmem>>) dst(%dma_wait3A_80 : memref<10240x8xf32, #tpu.memory_space<vmem_shared>>)
    %dma_wait3A_81 = arith.constant 0 : i32
    %dma_wait3A_82 = arith.constant 0 : i32
    %dma_wait3A_83 = tpu.memref_slice %arg6[%dma_wait3A_81, %dma_wait3A_82] : memref<80x128xi32, #tpu.memory_space<vmem>> -> memref<1x128xi32, #tpu.memory_space<vmem>>
    %dma_wait3A_84 = tpu.memref_squeeze %dma_wait3A_83 : memref<1x128xi32, #tpu.memory_space<vmem>> -> memref<128xi32, #tpu.memory_space<vmem>>
    %dma_wait3A_85 = arith.constant 0 : i32
    %dma_wait3A_86 = arith.constant 0 : i32
    %dma_wait3A_87 = tpu.memref_slice %arg11[%dma_wait3A_85, %dma_wait3A_86] : memref<10240x8xf32, #tpu.memory_space<vmem_shared>> -> memref<10240x8xf32, #tpu.memory_space<vmem_shared>>
    tpu.wait_indirect_dma semaphore(%arg12 : memref<!tpu.dma_semaphore, #tpu.memory_space<semaphore_mem>>) src(%arg8 : memref<128x8xf32, #tpu.memory_space<vmem>>) dst(%dma_wait3A_87 : memref<10240x8xf32, #tpu.memory_space<vmem_shared>>)
    %dma_wait3A_88 = arith.constant 0 : i32
    %dma_wait3A_89 = arith.constant 0 : i32
    %dma_wait3A_90 = tpu.memref_slice %arg7[%dma_wait3A_88, %dma_wait3A_89] : memref<80x128xi32, #tpu.memory_space<vmem>> -> memref<1x128xi32, #tpu.memory_space<vmem>>
    %dma_wait3A_91 = tpu.memref_squeeze %dma_wait3A_90 : memref<1x128xi32, #tpu.memory_space<vmem>> -> memref<128xi32, #tpu.memory_space<vmem>>
    %dma_wait3A_92 = arith.constant 0 : i32
    %dma_wait3A_93 = arith.constant 0 : i32
    %dma_wait3A_94 = tpu.memref_slice %arg11[%dma_wait3A_92, %dma_wait3A_93] : memref<10240x8xf32, #tpu.memory_space<vmem_shared>> -> memref<10240x8xf32, #tpu.memory_space<vmem_shared>>
    tpu.wait_indirect_dma semaphore(%arg13 : memref<!tpu.dma_semaphore, #tpu.memory_space<semaphore_mem>>) src(%arg9 : memref<128x8xf32, #tpu.memory_space<vmem>>) dst(%dma_wait3A_94 : memref<10240x8xf32, #tpu.memory_space<vmem_shared>>)
    %dma_wait3A_95 = arith.constant 0 : i32
    %dma_wait3A_96 = arith.constant 0 : i32
    %dma_wait3A_97 = tpu.memref_slice %arg6[%dma_wait3A_95, %dma_wait3A_96] : memref<80x128xi32, #tpu.memory_space<vmem>> -> memref<1x128xi32, #tpu.memory_space<vmem>>
    %dma_wait3A_98 = tpu.memref_squeeze %dma_wait3A_97 : memref<1x128xi32, #tpu.memory_space<vmem>> -> memref<128xi32, #tpu.memory_space<vmem>>
    %dma_wait3A_99 = arith.constant 0 : i32
    %dma_wait3A_100 = arith.constant 0 : i32
    %dma_wait3A_101 = tpu.memref_slice %arg11[%dma_wait3A_99, %dma_wait3A_100] : memref<10240x8xf32, #tpu.memory_space<vmem_shared>> -> memref<10240x8xf32, #tpu.memory_space<vmem_shared>>
    tpu.wait_indirect_dma semaphore(%arg12 : memref<!tpu.dma_semaphore, #tpu.memory_space<semaphore_mem>>) src(%arg8 : memref<128x8xf32, #tpu.memory_space<vmem>>) dst(%dma_wait3A_101 : memref<10240x8xf32, #tpu.memory_space<vmem_shared>>)
    %dma_wait3A_102 = arith.constant 0 : i32
    %dma_wait3A_103 = arith.constant 0 : i32
    %dma_wait3A_104 = tpu.memref_slice %arg7[%dma_wait3A_102, %dma_wait3A_103] : memref<80x128xi32, #tpu.memory_space<vmem>> -> memref<1x128xi32, #tpu.memory_space<vmem>>
    %dma_wait3A_105 = tpu.memref_squeeze %dma_wait3A_104 : memref<1x128xi32, #tpu.memory_space<vmem>> -> memref<128xi32, #tpu.memory_space<vmem>>
    %dma_wait3A_106 = arith.constant 0 : i32
    %dma_wait3A_107 = arith.constant 0 : i32
    %dma_wait3A_108 = tpu.memref_slice %arg11[%dma_wait3A_106, %dma_wait3A_107] : memref<10240x8xf32, #tpu.memory_space<vmem_shared>> -> memref<10240x8xf32, #tpu.memory_space<vmem_shared>>
    tpu.wait_indirect_dma semaphore(%arg13 : memref<!tpu.dma_semaphore, #tpu.memory_space<semaphore_mem>>) src(%arg9 : memref<128x8xf32, #tpu.memory_space<vmem>>) dst(%dma_wait3A_108 : memref<10240x8xf32, #tpu.memory_space<vmem_shared>>)
    %dma_wait3A_109 = arith.constant 0 : i32
    %dma_wait3A_110 = arith.constant 0 : i32
    %dma_wait3A_111 = tpu.memref_slice %arg6[%dma_wait3A_109, %dma_wait3A_110] : memref<80x128xi32, #tpu.memory_space<vmem>> -> memref<1x128xi32, #tpu.memory_space<vmem>>
    %dma_wait3A_112 = tpu.memref_squeeze %dma_wait3A_111 : memref<1x128xi32, #tpu.memory_space<vmem>> -> memref<128xi32, #tpu.memory_space<vmem>>
    %dma_wait3A_113 = arith.constant 0 : i32
    %dma_wait3A_114 = arith.constant 0 : i32
    %dma_wait3A_115 = tpu.memref_slice %arg11[%dma_wait3A_113, %dma_wait3A_114] : memref<10240x8xf32, #tpu.memory_space<vmem_shared>> -> memref<10240x8xf32, #tpu.memory_space<vmem_shared>>
    tpu.wait_indirect_dma semaphore(%arg12 : memref<!tpu.dma_semaphore, #tpu.memory_space<semaphore_mem>>) src(%arg8 : memref<128x8xf32, #tpu.memory_space<vmem>>) dst(%dma_wait3A_115 : memref<10240x8xf32, #tpu.memory_space<vmem_shared>>)
    %dma_wait3A_116 = arith.constant 0 : i32
    %dma_wait3A_117 = arith.constant 0 : i32
    %dma_wait3A_118 = tpu.memref_slice %arg7[%dma_wait3A_116, %dma_wait3A_117] : memref<80x128xi32, #tpu.memory_space<vmem>> -> memref<1x128xi32, #tpu.memory_space<vmem>>
    %dma_wait3A_119 = tpu.memref_squeeze %dma_wait3A_118 : memref<1x128xi32, #tpu.memory_space<vmem>> -> memref<128xi32, #tpu.memory_space<vmem>>
    %dma_wait3A_120 = arith.constant 0 : i32
    %dma_wait3A_121 = arith.constant 0 : i32
    %dma_wait3A_122 = tpu.memref_slice %arg11[%dma_wait3A_120, %dma_wait3A_121] : memref<10240x8xf32, #tpu.memory_space<vmem_shared>> -> memref<10240x8xf32, #tpu.memory_space<vmem_shared>>
    tpu.wait_indirect_dma semaphore(%arg13 : memref<!tpu.dma_semaphore, #tpu.memory_space<semaphore_mem>>) src(%arg9 : memref<128x8xf32, #tpu.memory_space<vmem>>) dst(%dma_wait3A_122 : memref<10240x8xf32, #tpu.memory_space<vmem_shared>>)
    %dma_wait3A_123 = arith.constant 0 : i32
    %dma_wait3A_124 = arith.constant 0 : i32
    %dma_wait3A_125 = tpu.memref_slice %arg6[%dma_wait3A_123, %dma_wait3A_124] : memref<80x128xi32, #tpu.memory_space<vmem>> -> memref<1x128xi32, #tpu.memory_space<vmem>>
    %dma_wait3A_126 = tpu.memref_squeeze %dma_wait3A_125 : memref<1x128xi32, #tpu.memory_space<vmem>> -> memref<128xi32, #tpu.memory_space<vmem>>
    %dma_wait3A_127 = arith.constant 0 : i32
    %dma_wait3A_128 = arith.constant 0 : i32
    %dma_wait3A_129 = tpu.memref_slice %arg11[%dma_wait3A_127, %dma_wait3A_128] : memref<10240x8xf32, #tpu.memory_space<vmem_shared>> -> memref<10240x8xf32, #tpu.memory_space<vmem_shared>>
    tpu.wait_indirect_dma semaphore(%arg12 : memref<!tpu.dma_semaphore, #tpu.memory_space<semaphore_mem>>) src(%arg8 : memref<128x8xf32, #tpu.memory_space<vmem>>) dst(%dma_wait3A_129 : memref<10240x8xf32, #tpu.memory_space<vmem_shared>>)
    %dma_wait3A_130 = arith.constant 0 : i32
    %dma_wait3A_131 = arith.constant 0 : i32
    %dma_wait3A_132 = tpu.memref_slice %arg7[%dma_wait3A_130, %dma_wait3A_131] : memref<80x128xi32, #tpu.memory_space<vmem>> -> memref<1x128xi32, #tpu.memory_space<vmem>>
    %dma_wait3A_133 = tpu.memref_squeeze %dma_wait3A_132 : memref<1x128xi32, #tpu.memory_space<vmem>> -> memref<128xi32, #tpu.memory_space<vmem>>
    %dma_wait3A_134 = arith.constant 0 : i32
    %dma_wait3A_135 = arith.constant 0 : i32
    %dma_wait3A_136 = tpu.memref_slice %arg11[%dma_wait3A_134, %dma_wait3A_135] : memref<10240x8xf32, #tpu.memory_space<vmem_shared>> -> memref<10240x8xf32, #tpu.memory_space<vmem_shared>>
    tpu.wait_indirect_dma semaphore(%arg13 : memref<!tpu.dma_semaphore, #tpu.memory_space<semaphore_mem>>) src(%arg9 : memref<128x8xf32, #tpu.memory_space<vmem>>) dst(%dma_wait3A_136 : memref<10240x8xf32, #tpu.memory_space<vmem_shared>>)
    %barrier3A_137 = arith.constant 0 : index
    tpu.barrier barrier_id(%barrier3A_137)
    %mul3A_138 = arith.constant 640 : i32
    %mul3A_139 = arith.muli %arg1, %mul3A_138 : i32
    "tpu.region"() ({
      %run_scoped3A = tpu.sem_alloc : memref<!tpu.dma_semaphore, #tpu.memory_space<semaphore_mem>>
      %dma_start3A = arith.constant 0 : i32
      %dma_start3A_140 = tpu.memref_slice %arg5[%arg0, %mul3A_139, %dma_start3A] : memref<2x10240x8xf32, #tpu.memory_space<hbm>> -> memref<1x640x8xf32, #tpu.memory_space<hbm>>
      %dma_start3A_141 = tpu.memref_squeeze %dma_start3A_140 : memref<1x640x8xf32, #tpu.memory_space<hbm>> -> memref<640x8xf32, #tpu.memory_space<hbm>>
      %dma_start3A_142 = arith.constant 0 : i32
      %dma_start3A_143 = tpu.memref_slice %arg11[%mul3A_139, %dma_start3A_142] : memref<10240x8xf32, #tpu.memory_space<vmem_shared>> -> memref<640x8xf32, #tpu.memory_space<vmem_shared>>
      tpu.enqueue_dma source(%dma_start3A_143 : memref<640x8xf32, #tpu.memory_space<vmem_shared>>) target(%dma_start3A_141 : memref<640x8xf32, #tpu.memory_space<hbm>>) target_semaphore(%run_scoped3A : memref<!tpu.dma_semaphore, #tpu.memory_space<semaphore_mem>>)
      %dma_wait3A_144 = arith.constant 0 : i32
      %dma_wait3A_145 = tpu.memref_slice %arg5[%arg0, %mul3A_139, %dma_wait3A_144] : memref<2x10240x8xf32, #tpu.memory_space<hbm>> -> memref<1x640x8xf32, #tpu.memory_space<hbm>>
      %dma_wait3A_146 = tpu.memref_squeeze %dma_wait3A_145 : memref<1x640x8xf32, #tpu.memory_space<hbm>> -> memref<640x8xf32, #tpu.memory_space<hbm>>
      %dma_wait3A_147 = arith.constant 0 : i32
      %dma_wait3A_148 = tpu.memref_slice %arg11[%mul3A_139, %dma_wait3A_147] : memref<10240x8xf32, #tpu.memory_space<vmem_shared>> -> memref<640x8xf32, #tpu.memory_space<vmem_shared>>
      tpu.wait_dma2 semaphore(%run_scoped3A : memref<!tpu.dma_semaphore, #tpu.memory_space<semaphore_mem>>) src(%dma_wait3A_148 : memref<640x8xf32, #tpu.memory_space<vmem_shared>>) dst(%dma_wait3A_146 : memref<640x8xf32, #tpu.memory_space<hbm>>)
      tpu.yield
    }) : () -> ()
    return
  }
}

#map = affine_map<(d0, d1) -> (0, 0)>
#map1 = affine_map<(d0, d1) -> (0, 0, 0)>
module attributes {stable_mosaic.version = 14 : i64} {
  func.func @_agg(%arg0: i32, %arg1: i32, %arg2: memref<10240x64xf32, #tpu.memory_space<hbm>>, %arg3: memref<32x80x128xi32, #tpu.memory_space<hbm>>, %arg4: memref<32x80x128xi32, #tpu.memory_space<hbm>>, %arg5: memref<2x10240x64xf32, #tpu.memory_space<hbm>>, %arg6: memref<80x128xi32, #tpu.memory_space<vmem>>, %arg7: memref<80x128xi32, #tpu.memory_space<vmem>>, %arg8: memref<128x64xf32, #tpu.memory_space<vmem>>, %arg9: memref<128x64xf32, #tpu.memory_space<vmem>>, %arg10: memref<128x64xf32, #tpu.memory_space<vmem>>, %arg11: memref<128x64xf32, #tpu.memory_space<vmem>>, %arg12: memref<128x64xf32, #tpu.memory_space<vmem>>, %arg13: memref<128x64xf32, #tpu.memory_space<vmem>>, %arg14: memref<128x64xf32, #tpu.memory_space<vmem>>, %arg15: memref<128x64xf32, #tpu.memory_space<vmem>>, %arg16: memref<10240x64xf32, #tpu.memory_space<vmem_shared>>, %arg17: memref<!tpu.dma_semaphore, #tpu.memory_space<semaphore_mem>>, %arg18: memref<!tpu.dma_semaphore, #tpu.memory_space<semaphore_mem>>, %arg19: memref<!tpu.dma_semaphore, #tpu.memory_space<semaphore_mem>>, %arg20: memref<!tpu.dma_semaphore, #tpu.memory_space<semaphore_mem>>, %arg21: memref<!tpu.dma_semaphore, #tpu.memory_space<semaphore_mem>>, %arg22: memref<!tpu.dma_semaphore, #tpu.memory_space<semaphore_mem>>, %arg23: memref<!tpu.dma_semaphore, #tpu.memory_space<semaphore_mem>>, %arg24: memref<!tpu.dma_semaphore, #tpu.memory_space<semaphore_mem>>, %arg25: memref<!tpu.dma_semaphore, #tpu.memory_space<semaphore_mem>>, %arg26: memref<!tpu.dma_semaphore, #tpu.memory_space<semaphore_mem>>, %arg27: memref<!tpu.dma_semaphore, #tpu.memory_space<semaphore_mem>>, %arg28: memref<!tpu.dma_semaphore, #tpu.memory_space<semaphore_mem>>, %arg29: memref<!tpu.dma_semaphore, #tpu.memory_space<semaphore_mem>>, %arg30: memref<!tpu.dma_semaphore, #tpu.memory_space<semaphore_mem>>, %arg31: memref<!tpu.dma_semaphore, #tpu.memory_space<semaphore_mem>>, %arg32: memref<!tpu.dma_semaphore, #tpu.memory_space<semaphore_mem>>) attributes {dimension_semantics = [#tpu.dimension_semantics<core_parallel>, #tpu.dimension_semantics<subcore_parallel>], iteration_bounds = array<i64: 2, 16>, scalar_prefetch = 0 : i64, scratch_operands = 27 : i64, tpu.core_type = #tpu.core_type<sc_vector_subcore>, window_params = [{transform_indices = #map}, {transform_indices = #map1}, {transform_indices = #map1}, {transform_indices = #map1}]} {
    %mul3A = arith.constant 16 : i32
    %mul3A_0 = arith.muli %arg0, %mul3A : i32
    %add3A = arith.addi %mul3A_0, %arg1 : i32
    %dma_start3A = arith.constant 0 : i32
    %dma_start3A_1 = arith.constant 0 : i32
    %dma_start3A_2 = tpu.memref_slice %arg3[%add3A, %dma_start3A, %dma_start3A_1] : memref<32x80x128xi32, #tpu.memory_space<hbm>> -> memref<1x80x128xi32, #tpu.memory_space<hbm>>
    %dma_start3A_3 = tpu.memref_squeeze %dma_start3A_2 : memref<1x80x128xi32, #tpu.memory_space<hbm>> -> memref<80x128xi32, #tpu.memory_space<hbm>>
    %dma_start3A_4 = arith.constant 0 : i32
    %dma_start3A_5 = arith.constant 0 : i32
    %dma_start3A_6 = tpu.memref_slice %arg3[%add3A, %dma_start3A_4, %dma_start3A_5] : memref<32x80x128xi32, #tpu.memory_space<hbm>> -> memref<1x80x128xi32, #tpu.memory_space<hbm>>
    %dma_start3A_7 = tpu.memref_squeeze %dma_start3A_6 : memref<1x80x128xi32, #tpu.memory_space<hbm>> -> memref<80x128xi32, #tpu.memory_space<hbm>>
    tpu.enqueue_dma source(%dma_start3A_7 : memref<80x128xi32, #tpu.memory_space<hbm>>) target(%arg6 : memref<80x128xi32, #tpu.memory_space<vmem>>) target_semaphore(%arg17 : memref<!tpu.dma_semaphore, #tpu.memory_space<semaphore_mem>>)
    %dma_start3A_8 = arith.constant 0 : i32
    %dma_start3A_9 = arith.constant 0 : i32
    %dma_start3A_10 = tpu.memref_slice %arg4[%add3A, %dma_start3A_8, %dma_start3A_9] : memref<32x80x128xi32, #tpu.memory_space<hbm>> -> memref<1x80x128xi32, #tpu.memory_space<hbm>>
    %dma_start3A_11 = tpu.memref_squeeze %dma_start3A_10 : memref<1x80x128xi32, #tpu.memory_space<hbm>> -> memref<80x128xi32, #tpu.memory_space<hbm>>
    %dma_start3A_12 = arith.constant 0 : i32
    %dma_start3A_13 = arith.constant 0 : i32
    %dma_start3A_14 = tpu.memref_slice %arg4[%add3A, %dma_start3A_12, %dma_start3A_13] : memref<32x80x128xi32, #tpu.memory_space<hbm>> -> memref<1x80x128xi32, #tpu.memory_space<hbm>>
    %dma_start3A_15 = tpu.memref_squeeze %dma_start3A_14 : memref<1x80x128xi32, #tpu.memory_space<hbm>> -> memref<80x128xi32, #tpu.memory_space<hbm>>
    tpu.enqueue_dma source(%dma_start3A_15 : memref<80x128xi32, #tpu.memory_space<hbm>>) target(%arg7 : memref<80x128xi32, #tpu.memory_space<vmem>>) target_semaphore(%arg18 : memref<!tpu.dma_semaphore, #tpu.memory_space<semaphore_mem>>)
    %broadcast_in_dim3A = arith.constant 0.000000e+00 : f32
    %broadcast_in_dim3A_16 = vector.broadcast %broadcast_in_dim3A : f32 to vector<16xf32>
    %scan3A = arith.constant 0 : i32
    %scan3A_17 = arith.constant 0 : i32
    %scan3A_18 = arith.constant 128 : i32
    %scan3A_19 = arith.addi %scan3A_17, %scan3A_18 : i32
    %scan3A_20 = arith.constant 1 : i32
    scf.for %scan3A_172 = %scan3A_17 to %scan3A_19 step %scan3A_20  : i32 {
      %swap3A = arith.index_cast %scan3A_172 : i32 to index
      %swap3A_173 = arith.constant 0 : index
      %swap3A_174 = tpu.vector_load %arg8[%swap3A, %swap3A_173] {strides = array<i32>} : memref<128x64xf32, #tpu.memory_space<vmem>>, vector<1x16xf32>,
      %swap3A_175 = vector.shape_cast %swap3A_174 : vector<1x16xf32> to vector<16xf32>
      %swap3A_176 = vector.shape_cast %broadcast_in_dim3A_16 : vector<16xf32> to vector<1x16xf32>
      tpu.vector_store %arg8[%swap3A, %swap3A_173], %swap3A_176 {strides = array<i32>} : memref<128x64xf32, #tpu.memory_space<vmem>>, vector<1x16xf32>,
      %swap3A_177 = arith.index_cast %scan3A_172 : i32 to index
      %swap3A_178 = arith.constant 16 : index
      %swap3A_179 = tpu.vector_load %arg8[%swap3A_177, %swap3A_178] {strides = array<i32>} : memref<128x64xf32, #tpu.memory_space<vmem>>, vector<1x16xf32>,
      %swap3A_180 = vector.shape_cast %swap3A_179 : vector<1x16xf32> to vector<16xf32>
      %swap3A_181 = vector.shape_cast %broadcast_in_dim3A_16 : vector<16xf32> to vector<1x16xf32>
      tpu.vector_store %arg8[%swap3A_177, %swap3A_178], %swap3A_181 {strides = array<i32>} : memref<128x64xf32, #tpu.memory_space<vmem>>, vector<1x16xf32>,
      %swap3A_182 = arith.index_cast %scan3A_172 : i32 to index
      %swap3A_183 = arith.constant 32 : index
      %swap3A_184 = tpu.vector_load %arg8[%swap3A_182, %swap3A_183] {strides = array<i32>} : memref<128x64xf32, #tpu.memory_space<vmem>>, vector<1x16xf32>,
      %swap3A_185 = vector.shape_cast %swap3A_184 : vector<1x16xf32> to vector<16xf32>
      %swap3A_186 = vector.shape_cast %broadcast_in_dim3A_16 : vector<16xf32> to vector<1x16xf32>
      tpu.vector_store %arg8[%swap3A_182, %swap3A_183], %swap3A_186 {strides = array<i32>} : memref<128x64xf32, #tpu.memory_space<vmem>>, vector<1x16xf32>,
      %swap3A_187 = arith.index_cast %scan3A_172 : i32 to index
      %swap3A_188 = arith.constant 48 : index
      %swap3A_189 = tpu.vector_load %arg8[%swap3A_187, %swap3A_188] {strides = array<i32>} : memref<128x64xf32, #tpu.memory_space<vmem>>, vector<1x16xf32>,
      %swap3A_190 = vector.shape_cast %swap3A_189 : vector<1x16xf32> to vector<16xf32>
      %swap3A_191 = vector.shape_cast %broadcast_in_dim3A_16 : vector<16xf32> to vector<1x16xf32>
      tpu.vector_store %arg8[%swap3A_187, %swap3A_188], %swap3A_191 {strides = array<i32>} : memref<128x64xf32, #tpu.memory_space<vmem>>, vector<1x16xf32>,
    }
    %scan3A_21 = arith.constant 128 : i32
    %mul3A_22 = arith.constant 640 : i32
    %mul3A_23 = arith.muli %arg1, %mul3A_22 : i32
    %add3A_24 = arith.constant 0 : i32
    %add3A_25 = arith.addi %mul3A_23, %add3A_24 : i32
    %dma_start3A_26 = arith.constant 0 : i32
    %dma_start3A_27 = tpu.memref_slice %arg16[%add3A_25, %dma_start3A_26] : memref<10240x64xf32, #tpu.memory_space<vmem_shared>> -> memref<128x64xf32, #tpu.memory_space<vmem_shared>>
    %dma_start3A_28 = arith.constant 0 : i32
    %dma_start3A_29 = tpu.memref_slice %arg16[%add3A_25, %dma_start3A_28] : memref<10240x64xf32, #tpu.memory_space<vmem_shared>> -> memref<128x64xf32, #tpu.memory_space<vmem_shared>>
    tpu.enqueue_dma source(%arg8 : memref<128x64xf32, #tpu.memory_space<vmem>>) target(%dma_start3A_29 : memref<128x64xf32, #tpu.memory_space<vmem_shared>>) target_semaphore(%arg25 : memref<!tpu.dma_semaphore, #tpu.memory_space<semaphore_mem>>)
    %mul3A_30 = arith.constant 640 : i32
    %mul3A_31 = arith.muli %arg1, %mul3A_30 : i32
    %add3A_32 = arith.constant 128 : i32
    %add3A_33 = arith.addi %mul3A_31, %add3A_32 : i32
    %dma_start3A_34 = arith.constant 0 : i32
    %dma_start3A_35 = tpu.memref_slice %arg16[%add3A_33, %dma_start3A_34] : memref<10240x64xf32, #tpu.memory_space<vmem_shared>> -> memref<128x64xf32, #tpu.memory_space<vmem_shared>>
    %dma_start3A_36 = arith.constant 0 : i32
    %dma_start3A_37 = tpu.memref_slice %arg16[%add3A_33, %dma_start3A_36] : memref<10240x64xf32, #tpu.memory_space<vmem_shared>> -> memref<128x64xf32, #tpu.memory_space<vmem_shared>>
    tpu.enqueue_dma source(%arg8 : memref<128x64xf32, #tpu.memory_space<vmem>>) target(%dma_start3A_37 : memref<128x64xf32, #tpu.memory_space<vmem_shared>>) target_semaphore(%arg25 : memref<!tpu.dma_semaphore, #tpu.memory_space<semaphore_mem>>)
    %mul3A_38 = arith.constant 640 : i32
    %mul3A_39 = arith.muli %arg1, %mul3A_38 : i32
    %add3A_40 = arith.constant 256 : i32
    %add3A_41 = arith.addi %mul3A_39, %add3A_40 : i32
    %dma_start3A_42 = arith.constant 0 : i32
    %dma_start3A_43 = tpu.memref_slice %arg16[%add3A_41, %dma_start3A_42] : memref<10240x64xf32, #tpu.memory_space<vmem_shared>> -> memref<128x64xf32, #tpu.memory_space<vmem_shared>>
    %dma_start3A_44 = arith.constant 0 : i32
    %dma_start3A_45 = tpu.memref_slice %arg16[%add3A_41, %dma_start3A_44] : memref<10240x64xf32, #tpu.memory_space<vmem_shared>> -> memref<128x64xf32, #tpu.memory_space<vmem_shared>>
    tpu.enqueue_dma source(%arg8 : memref<128x64xf32, #tpu.memory_space<vmem>>) target(%dma_start3A_45 : memref<128x64xf32, #tpu.memory_space<vmem_shared>>) target_semaphore(%arg25 : memref<!tpu.dma_semaphore, #tpu.memory_space<semaphore_mem>>)
    %mul3A_46 = arith.constant 640 : i32
    %mul3A_47 = arith.muli %arg1, %mul3A_46 : i32
    %add3A_48 = arith.constant 384 : i32
    %add3A_49 = arith.addi %mul3A_47, %add3A_48 : i32
    %dma_start3A_50 = arith.constant 0 : i32
    %dma_start3A_51 = tpu.memref_slice %arg16[%add3A_49, %dma_start3A_50] : memref<10240x64xf32, #tpu.memory_space<vmem_shared>> -> memref<128x64xf32, #tpu.memory_space<vmem_shared>>
    %dma_start3A_52 = arith.constant 0 : i32
    %dma_start3A_53 = tpu.memref_slice %arg16[%add3A_49, %dma_start3A_52] : memref<10240x64xf32, #tpu.memory_space<vmem_shared>> -> memref<128x64xf32, #tpu.memory_space<vmem_shared>>
    tpu.enqueue_dma source(%arg8 : memref<128x64xf32, #tpu.memory_space<vmem>>) target(%dma_start3A_53 : memref<128x64xf32, #tpu.memory_space<vmem_shared>>) target_semaphore(%arg25 : memref<!tpu.dma_semaphore, #tpu.memory_space<semaphore_mem>>)
    %mul3A_54 = arith.constant 640 : i32
    %mul3A_55 = arith.muli %arg1, %mul3A_54 : i32
    %add3A_56 = arith.constant 512 : i32
    %add3A_57 = arith.addi %mul3A_55, %add3A_56 : i32
    %dma_start3A_58 = arith.constant 0 : i32
    %dma_start3A_59 = tpu.memref_slice %arg16[%add3A_57, %dma_start3A_58] : memref<10240x64xf32, #tpu.memory_space<vmem_shared>> -> memref<128x64xf32, #tpu.memory_space<vmem_shared>>
    %dma_start3A_60 = arith.constant 0 : i32
    %dma_start3A_61 = tpu.memref_slice %arg16[%add3A_57, %dma_start3A_60] : memref<10240x64xf32, #tpu.memory_space<vmem_shared>> -> memref<128x64xf32, #tpu.memory_space<vmem_shared>>
    tpu.enqueue_dma source(%arg8 : memref<128x64xf32, #tpu.memory_space<vmem>>) target(%dma_start3A_61 : memref<128x64xf32, #tpu.memory_space<vmem_shared>>) target_semaphore(%arg25 : memref<!tpu.dma_semaphore, #tpu.memory_space<semaphore_mem>>)
    %dma_wait3A = arith.constant 0 : i32
    %dma_wait3A_62 = arith.constant 0 : i32
    %dma_wait3A_63 = tpu.memref_slice %arg3[%add3A, %dma_wait3A, %dma_wait3A_62] : memref<32x80x128xi32, #tpu.memory_space<hbm>> -> memref<1x80x128xi32, #tpu.memory_space<hbm>>
    %dma_wait3A_64 = tpu.memref_squeeze %dma_wait3A_63 : memref<1x80x128xi32, #tpu.memory_space<hbm>> -> memref<80x128xi32, #tpu.memory_space<hbm>>
    %dma_wait3A_65 = arith.constant 0 : i32
    %dma_wait3A_66 = arith.constant 0 : i32
    %dma_wait3A_67 = tpu.memref_slice %arg3[%add3A, %dma_wait3A_65, %dma_wait3A_66] : memref<32x80x128xi32, #tpu.memory_space<hbm>> -> memref<1x80x128xi32, #tpu.memory_space<hbm>>
    %dma_wait3A_68 = tpu.memref_squeeze %dma_wait3A_67 : memref<1x80x128xi32, #tpu.memory_space<hbm>> -> memref<80x128xi32, #tpu.memory_space<hbm>>
    tpu.wait_dma2 semaphore(%arg17 : memref<!tpu.dma_semaphore, #tpu.memory_space<semaphore_mem>>) src(%dma_wait3A_68 : memref<80x128xi32, #tpu.memory_space<hbm>>) dst(%arg6 : memref<80x128xi32, #tpu.memory_space<vmem>>)
    %dma_wait3A_69 = arith.constant 0 : i32
    %dma_wait3A_70 = arith.constant 0 : i32
    %dma_wait3A_71 = tpu.memref_slice %arg4[%add3A, %dma_wait3A_69, %dma_wait3A_70] : memref<32x80x128xi32, #tpu.memory_space<hbm>> -> memref<1x80x128xi32, #tpu.memory_space<hbm>>
    %dma_wait3A_72 = tpu.memref_squeeze %dma_wait3A_71 : memref<1x80x128xi32, #tpu.memory_space<hbm>> -> memref<80x128xi32, #tpu.memory_space<hbm>>
    %dma_wait3A_73 = arith.constant 0 : i32
    %dma_wait3A_74 = arith.constant 0 : i32
    %dma_wait3A_75 = tpu.memref_slice %arg4[%add3A, %dma_wait3A_73, %dma_wait3A_74] : memref<32x80x128xi32, #tpu.memory_space<hbm>> -> memref<1x80x128xi32, #tpu.memory_space<hbm>>
    %dma_wait3A_76 = tpu.memref_squeeze %dma_wait3A_75 : memref<1x80x128xi32, #tpu.memory_space<hbm>> -> memref<80x128xi32, #tpu.memory_space<hbm>>
    tpu.wait_dma2 semaphore(%arg18 : memref<!tpu.dma_semaphore, #tpu.memory_space<semaphore_mem>>) src(%dma_wait3A_76 : memref<80x128xi32, #tpu.memory_space<hbm>>) dst(%arg7 : memref<80x128xi32, #tpu.memory_space<vmem>>)
    %mul3A_77 = arith.constant 640 : i32
    %mul3A_78 = arith.muli %arg1, %mul3A_77 : i32
    %dma_wait3A_79 = arith.constant 0 : i32
    %dma_wait3A_80 = tpu.memref_slice %arg16[%mul3A_78, %dma_wait3A_79] : memref<10240x64xf32, #tpu.memory_space<vmem_shared>> -> memref<128x64xf32, #tpu.memory_space<vmem_shared>>
    %dma_wait3A_81 = arith.constant 0 : i32
    %dma_wait3A_82 = tpu.memref_slice %arg16[%mul3A_78, %dma_wait3A_81] : memref<10240x64xf32, #tpu.memory_space<vmem_shared>> -> memref<128x64xf32, #tpu.memory_space<vmem_shared>>
    tpu.wait_dma2 semaphore(%arg25 : memref<!tpu.dma_semaphore, #tpu.memory_space<semaphore_mem>>) src(%arg8 : memref<128x64xf32, #tpu.memory_space<vmem>>) dst(%dma_wait3A_82 : memref<128x64xf32, #tpu.memory_space<vmem_shared>>)
    %mul3A_83 = arith.constant 640 : i32
    %mul3A_84 = arith.muli %arg1, %mul3A_83 : i32
    %dma_wait3A_85 = arith.constant 0 : i32
    %dma_wait3A_86 = tpu.memref_slice %arg16[%mul3A_84, %dma_wait3A_85] : memref<10240x64xf32, #tpu.memory_space<vmem_shared>> -> memref<128x64xf32, #tpu.memory_space<vmem_shared>>
    %dma_wait3A_87 = arith.constant 0 : i32
    %dma_wait3A_88 = tpu.memref_slice %arg16[%mul3A_84, %dma_wait3A_87] : memref<10240x64xf32, #tpu.memory_space<vmem_shared>> -> memref<128x64xf32, #tpu.memory_space<vmem_shared>>
    tpu.wait_dma2 semaphore(%arg25 : memref<!tpu.dma_semaphore, #tpu.memory_space<semaphore_mem>>) src(%arg8 : memref<128x64xf32, #tpu.memory_space<vmem>>) dst(%dma_wait3A_88 : memref<128x64xf32, #tpu.memory_space<vmem_shared>>)
    %mul3A_89 = arith.constant 640 : i32
    %mul3A_90 = arith.muli %arg1, %mul3A_89 : i32
    %dma_wait3A_91 = arith.constant 0 : i32
    %dma_wait3A_92 = tpu.memref_slice %arg16[%mul3A_90, %dma_wait3A_91] : memref<10240x64xf32, #tpu.memory_space<vmem_shared>> -> memref<128x64xf32, #tpu.memory_space<vmem_shared>>
    %dma_wait3A_93 = arith.constant 0 : i32
    %dma_wait3A_94 = tpu.memref_slice %arg16[%mul3A_90, %dma_wait3A_93] : memref<10240x64xf32, #tpu.memory_space<vmem_shared>> -> memref<128x64xf32, #tpu.memory_space<vmem_shared>>
    tpu.wait_dma2 semaphore(%arg25 : memref<!tpu.dma_semaphore, #tpu.memory_space<semaphore_mem>>) src(%arg8 : memref<128x64xf32, #tpu.memory_space<vmem>>) dst(%dma_wait3A_94 : memref<128x64xf32, #tpu.memory_space<vmem_shared>>)
    %mul3A_95 = arith.constant 640 : i32
    %mul3A_96 = arith.muli %arg1, %mul3A_95 : i32
    %dma_wait3A_97 = arith.constant 0 : i32
    %dma_wait3A_98 = tpu.memref_slice %arg16[%mul3A_96, %dma_wait3A_97] : memref<10240x64xf32, #tpu.memory_space<vmem_shared>> -> memref<128x64xf32, #tpu.memory_space<vmem_shared>>
    %dma_wait3A_99 = arith.constant 0 : i32
    %dma_wait3A_100 = tpu.memref_slice %arg16[%mul3A_96, %dma_wait3A_99] : memref<10240x64xf32, #tpu.memory_space<vmem_shared>> -> memref<128x64xf32, #tpu.memory_space<vmem_shared>>
    tpu.wait_dma2 semaphore(%arg25 : memref<!tpu.dma_semaphore, #tpu.memory_space<semaphore_mem>>) src(%arg8 : memref<128x64xf32, #tpu.memory_space<vmem>>) dst(%dma_wait3A_100 : memref<128x64xf32, #tpu.memory_space<vmem_shared>>)
    %mul3A_101 = arith.constant 640 : i32
    %mul3A_102 = arith.muli %arg1, %mul3A_101 : i32
    %dma_wait3A_103 = arith.constant 0 : i32
    %dma_wait3A_104 = tpu.memref_slice %arg16[%mul3A_102, %dma_wait3A_103] : memref<10240x64xf32, #tpu.memory_space<vmem_shared>> -> memref<128x64xf32, #tpu.memory_space<vmem_shared>>
    %dma_wait3A_105 = arith.constant 0 : i32
    %dma_wait3A_106 = tpu.memref_slice %arg16[%mul3A_102, %dma_wait3A_105] : memref<10240x64xf32, #tpu.memory_space<vmem_shared>> -> memref<128x64xf32, #tpu.memory_space<vmem_shared>>
    tpu.wait_dma2 semaphore(%arg25 : memref<!tpu.dma_semaphore, #tpu.memory_space<semaphore_mem>>) src(%arg8 : memref<128x64xf32, #tpu.memory_space<vmem>>) dst(%dma_wait3A_106 : memref<128x64xf32, #tpu.memory_space<vmem_shared>>)
    %barrier3A = arith.constant 0 : index
    tpu.barrier barrier_id(%barrier3A)
    %scan3A_107 = arith.constant 0 : i32
    %scan3A_108 = arith.constant 0 : i32
    %scan3A_109 = arith.constant 10 : i32
    %scan3A_110 = arith.addi %scan3A_108, %scan3A_109 : i32
    %scan3A_111 = arith.constant 1 : i32
    scf.for %scan3A_172 = %scan3A_108 to %scan3A_110 step %scan3A_111  : i32 {
      %gt3A = arith.constant 0 : i32
      %gt3A_173 = arith.cmpi sgt, %scan3A_172, %gt3A : i32
      %convert_element_type3A = arith.extui %gt3A_173 : i1 to i32
      %cond3A = arith.constant 0 : i32
      %cond3A_174 = arith.cmpi ne, %convert_element_type3A, %cond3A : i32
      scf.if %cond3A_174 {
        %dma_wait3A_368 = arith.constant 0 : i32
        %dma_wait3A_369 = arith.constant 0 : i32
        %dma_wait3A_370 = tpu.memref_slice %arg7[%dma_wait3A_368, %dma_wait3A_369] : memref<80x128xi32, #tpu.memory_space<vmem>> -> memref<1x128xi32, #tpu.memory_space<vmem>>
        %dma_wait3A_371 = tpu.memref_squeeze %dma_wait3A_370 : memref<1x128xi32, #tpu.memory_space<vmem>> -> memref<128xi32, #tpu.memory_space<vmem>>
        %dma_wait3A_372 = arith.constant 0 : i32
        %dma_wait3A_373 = arith.constant 0 : i32
        %dma_wait3A_374 = tpu.memref_slice %arg16[%dma_wait3A_372, %dma_wait3A_373] : memref<10240x64xf32, #tpu.memory_space<vmem_shared>> -> memref<10240x64xf32, #tpu.memory_space<vmem_shared>>
        tpu.wait_indirect_dma semaphore(%arg25 : memref<!tpu.dma_semaphore, #tpu.memory_space<semaphore_mem>>) src(%arg8 : memref<128x64xf32, #tpu.memory_space<vmem>>) dst(%dma_wait3A_374 : memref<10240x64xf32, #tpu.memory_space<vmem_shared>>)
        %dma_wait3A_375 = arith.constant 0 : i32
        %dma_wait3A_376 = arith.constant 0 : i32
        %dma_wait3A_377 = tpu.memref_slice %arg7[%dma_wait3A_375, %dma_wait3A_376] : memref<80x128xi32, #tpu.memory_space<vmem>> -> memref<1x128xi32, #tpu.memory_space<vmem>>
        %dma_wait3A_378 = tpu.memref_squeeze %dma_wait3A_377 : memref<1x128xi32, #tpu.memory_space<vmem>> -> memref<128xi32, #tpu.memory_space<vmem>>
        %dma_wait3A_379 = arith.constant 0 : i32
        %dma_wait3A_380 = arith.constant 0 : i32
        %dma_wait3A_381 = tpu.memref_slice %arg16[%dma_wait3A_379, %dma_wait3A_380] : memref<10240x64xf32, #tpu.memory_space<vmem_shared>> -> memref<10240x64xf32, #tpu.memory_space<vmem_shared>>
        tpu.wait_indirect_dma semaphore(%arg26 : memref<!tpu.dma_semaphore, #tpu.memory_space<semaphore_mem>>) src(%arg9 : memref<128x64xf32, #tpu.memory_space<vmem>>) dst(%dma_wait3A_381 : memref<10240x64xf32, #tpu.memory_space<vmem_shared>>)
        %dma_wait3A_382 = arith.constant 0 : i32
        %dma_wait3A_383 = arith.constant 0 : i32
        %dma_wait3A_384 = tpu.memref_slice %arg7[%dma_wait3A_382, %dma_wait3A_383] : memref<80x128xi32, #tpu.memory_space<vmem>> -> memref<1x128xi32, #tpu.memory_space<vmem>>
        %dma_wait3A_385 = tpu.memref_squeeze %dma_wait3A_384 : memref<1x128xi32, #tpu.memory_space<vmem>> -> memref<128xi32, #tpu.memory_space<vmem>>
        %dma_wait3A_386 = arith.constant 0 : i32
        %dma_wait3A_387 = arith.constant 0 : i32
        %dma_wait3A_388 = tpu.memref_slice %arg16[%dma_wait3A_386, %dma_wait3A_387] : memref<10240x64xf32, #tpu.memory_space<vmem_shared>> -> memref<10240x64xf32, #tpu.memory_space<vmem_shared>>
        tpu.wait_indirect_dma semaphore(%arg27 : memref<!tpu.dma_semaphore, #tpu.memory_space<semaphore_mem>>) src(%arg10 : memref<128x64xf32, #tpu.memory_space<vmem>>) dst(%dma_wait3A_388 : memref<10240x64xf32, #tpu.memory_space<vmem_shared>>)
        %dma_wait3A_389 = arith.constant 0 : i32
        %dma_wait3A_390 = arith.constant 0 : i32
        %dma_wait3A_391 = tpu.memref_slice %arg7[%dma_wait3A_389, %dma_wait3A_390] : memref<80x128xi32, #tpu.memory_space<vmem>> -> memref<1x128xi32, #tpu.memory_space<vmem>>
        %dma_wait3A_392 = tpu.memref_squeeze %dma_wait3A_391 : memref<1x128xi32, #tpu.memory_space<vmem>> -> memref<128xi32, #tpu.memory_space<vmem>>
        %dma_wait3A_393 = arith.constant 0 : i32
        %dma_wait3A_394 = arith.constant 0 : i32
        %dma_wait3A_395 = tpu.memref_slice %arg16[%dma_wait3A_393, %dma_wait3A_394] : memref<10240x64xf32, #tpu.memory_space<vmem_shared>> -> memref<10240x64xf32, #tpu.memory_space<vmem_shared>>
        tpu.wait_indirect_dma semaphore(%arg28 : memref<!tpu.dma_semaphore, #tpu.memory_space<semaphore_mem>>) src(%arg11 : memref<128x64xf32, #tpu.memory_space<vmem>>) dst(%dma_wait3A_395 : memref<10240x64xf32, #tpu.memory_space<vmem_shared>>)
      } else {
      }
      %mul3A_175 = arith.constant 2 : i32
      %mul3A_176 = arith.muli %mul3A_175, %scan3A_172 : i32
      %add3A_177 = arith.constant 0 : i32
      %add3A_178 = arith.addi %mul3A_176, %add3A_177 : i32
      %mul3A_179 = arith.constant 4 : i32
      %mul3A_180 = arith.muli %add3A_178, %mul3A_179 : i32
      %add3A_181 = arith.constant 0 : i32
      %add3A_182 = arith.addi %mul3A_180, %add3A_181 : i32
      %dma_start3A_183 = arith.constant 0 : i32
      %dma_start3A_184 = tpu.memref_slice %arg6[%add3A_182, %dma_start3A_183] : memref<80x128xi32, #tpu.memory_space<vmem>> -> memref<1x128xi32, #tpu.memory_space<vmem>>
      %dma_start3A_185 = tpu.memref_squeeze %dma_start3A_184 : memref<1x128xi32, #tpu.memory_space<vmem>> -> memref<128xi32, #tpu.memory_space<vmem>>
      %dma_start3A_186 = arith.constant 0 : i32
      %dma_start3A_187 = arith.constant 0 : i32
      %dma_start3A_188 = tpu.memref_slice %arg2[%dma_start3A_186, %dma_start3A_187] : memref<10240x64xf32, #tpu.memory_space<hbm>> -> memref<10240x64xf32, #tpu.memory_space<hbm>>
      tpu.enqueue_indirect_dma source(%dma_start3A_188 : memref<10240x64xf32, #tpu.memory_space<hbm>>) target(%arg8 : memref<128x64xf32, #tpu.memory_space<vmem>>) offsets(%dma_start3A_185 : memref<128xi32, #tpu.memory_space<vmem>>) semaphore(%arg17 : memref<!tpu.dma_semaphore, #tpu.memory_space<semaphore_mem>>)
      %add3A_189 = arith.constant 1 : i32
      %add3A_190 = arith.addi %mul3A_180, %add3A_189 : i32
      %dma_start3A_191 = arith.constant 0 : i32
      %dma_start3A_192 = tpu.memref_slice %arg6[%add3A_190, %dma_start3A_191] : memref<80x128xi32, #tpu.memory_space<vmem>> -> memref<1x128xi32, #tpu.memory_space<vmem>>
      %dma_start3A_193 = tpu.memref_squeeze %dma_start3A_192 : memref<1x128xi32, #tpu.memory_space<vmem>> -> memref<128xi32, #tpu.memory_space<vmem>>
      %dma_start3A_194 = arith.constant 0 : i32
      %dma_start3A_195 = arith.constant 0 : i32
      %dma_start3A_196 = tpu.memref_slice %arg2[%dma_start3A_194, %dma_start3A_195] : memref<10240x64xf32, #tpu.memory_space<hbm>> -> memref<10240x64xf32, #tpu.memory_space<hbm>>
      tpu.enqueue_indirect_dma source(%dma_start3A_196 : memref<10240x64xf32, #tpu.memory_space<hbm>>) target(%arg9 : memref<128x64xf32, #tpu.memory_space<vmem>>) offsets(%dma_start3A_193 : memref<128xi32, #tpu.memory_space<vmem>>) semaphore(%arg18 : memref<!tpu.dma_semaphore, #tpu.memory_space<semaphore_mem>>)
      %add3A_197 = arith.constant 2 : i32
      %add3A_198 = arith.addi %mul3A_180, %add3A_197 : i32
      %dma_start3A_199 = arith.constant 0 : i32
      %dma_start3A_200 = tpu.memref_slice %arg6[%add3A_198, %dma_start3A_199] : memref<80x128xi32, #tpu.memory_space<vmem>> -> memref<1x128xi32, #tpu.memory_space<vmem>>
      %dma_start3A_201 = tpu.memref_squeeze %dma_start3A_200 : memref<1x128xi32, #tpu.memory_space<vmem>> -> memref<128xi32, #tpu.memory_space<vmem>>
      %dma_start3A_202 = arith.constant 0 : i32
      %dma_start3A_203 = arith.constant 0 : i32
      %dma_start3A_204 = tpu.memref_slice %arg2[%dma_start3A_202, %dma_start3A_203] : memref<10240x64xf32, #tpu.memory_space<hbm>> -> memref<10240x64xf32, #tpu.memory_space<hbm>>
      tpu.enqueue_indirect_dma source(%dma_start3A_204 : memref<10240x64xf32, #tpu.memory_space<hbm>>) target(%arg10 : memref<128x64xf32, #tpu.memory_space<vmem>>) offsets(%dma_start3A_201 : memref<128xi32, #tpu.memory_space<vmem>>) semaphore(%arg19 : memref<!tpu.dma_semaphore, #tpu.memory_space<semaphore_mem>>)
      %add3A_205 = arith.constant 3 : i32
      %add3A_206 = arith.addi %mul3A_180, %add3A_205 : i32
      %dma_start3A_207 = arith.constant 0 : i32
      %dma_start3A_208 = tpu.memref_slice %arg6[%add3A_206, %dma_start3A_207] : memref<80x128xi32, #tpu.memory_space<vmem>> -> memref<1x128xi32, #tpu.memory_space<vmem>>
      %dma_start3A_209 = tpu.memref_squeeze %dma_start3A_208 : memref<1x128xi32, #tpu.memory_space<vmem>> -> memref<128xi32, #tpu.memory_space<vmem>>
      %dma_start3A_210 = arith.constant 0 : i32
      %dma_start3A_211 = arith.constant 0 : i32
      %dma_start3A_212 = tpu.memref_slice %arg2[%dma_start3A_210, %dma_start3A_211] : memref<10240x64xf32, #tpu.memory_space<hbm>> -> memref<10240x64xf32, #tpu.memory_space<hbm>>
      tpu.enqueue_indirect_dma source(%dma_start3A_212 : memref<10240x64xf32, #tpu.memory_space<hbm>>) target(%arg11 : memref<128x64xf32, #tpu.memory_space<vmem>>) offsets(%dma_start3A_209 : memref<128xi32, #tpu.memory_space<vmem>>) semaphore(%arg20 : memref<!tpu.dma_semaphore, #tpu.memory_space<semaphore_mem>>)
      %dma_wait3A_213 = arith.constant 0 : i32
      %dma_wait3A_214 = tpu.memref_slice %arg6[%add3A_182, %dma_wait3A_213] : memref<80x128xi32, #tpu.memory_space<vmem>> -> memref<1x128xi32, #tpu.memory_space<vmem>>
      %dma_wait3A_215 = tpu.memref_squeeze %dma_wait3A_214 : memref<1x128xi32, #tpu.memory_space<vmem>> -> memref<128xi32, #tpu.memory_space<vmem>>
      %dma_wait3A_216 = arith.constant 0 : i32
      %dma_wait3A_217 = arith.constant 0 : i32
      %dma_wait3A_218 = tpu.memref_slice %arg2[%dma_wait3A_216, %dma_wait3A_217] : memref<10240x64xf32, #tpu.memory_space<hbm>> -> memref<10240x64xf32, #tpu.memory_space<hbm>>
      tpu.wait_indirect_dma semaphore(%arg17 : memref<!tpu.dma_semaphore, #tpu.memory_space<semaphore_mem>>) src(%dma_wait3A_218 : memref<10240x64xf32, #tpu.memory_space<hbm>>) dst(%arg8 : memref<128x64xf32, #tpu.memory_space<vmem>>)
      %add3A_219 = arith.constant 0 : i32
      %add3A_220 = arith.addi %mul3A_180, %add3A_219 : i32
      %dma_start3A_221 = arith.constant 0 : i32
      %dma_start3A_222 = tpu.memref_slice %arg7[%add3A_220, %dma_start3A_221] : memref<80x128xi32, #tpu.memory_space<vmem>> -> memref<1x128xi32, #tpu.memory_space<vmem>>
      %dma_start3A_223 = tpu.memref_squeeze %dma_start3A_222 : memref<1x128xi32, #tpu.memory_space<vmem>> -> memref<128xi32, #tpu.memory_space<vmem>>
      %dma_start3A_224 = arith.constant 0 : i32
      %dma_start3A_225 = arith.constant 0 : i32
      %dma_start3A_226 = tpu.memref_slice %arg16[%dma_start3A_224, %dma_start3A_225] : memref<10240x64xf32, #tpu.memory_space<vmem_shared>> -> memref<10240x64xf32, #tpu.memory_space<vmem_shared>>
      tpu.enqueue_indirect_dma source(%arg8 : memref<128x64xf32, #tpu.memory_space<vmem>>) target(%dma_start3A_226 : memref<10240x64xf32, #tpu.memory_space<vmem_shared>>) offsets(%dma_start3A_223 : memref<128xi32, #tpu.memory_space<vmem>>) semaphore(%arg25 : memref<!tpu.dma_semaphore, #tpu.memory_space<semaphore_mem>>) {add = true}
      %dma_wait3A_227 = arith.constant 0 : i32
      %dma_wait3A_228 = tpu.memref_slice %arg6[%add3A_190, %dma_wait3A_227] : memref<80x128xi32, #tpu.memory_space<vmem>> -> memref<1x128xi32, #tpu.memory_space<vmem>>
      %dma_wait3A_229 = tpu.memref_squeeze %dma_wait3A_228 : memref<1x128xi32, #tpu.memory_space<vmem>> -> memref<128xi32, #tpu.memory_space<vmem>>
      %dma_wait3A_230 = arith.constant 0 : i32
      %dma_wait3A_231 = arith.constant 0 : i32
      %dma_wait3A_232 = tpu.memref_slice %arg2[%dma_wait3A_230, %dma_wait3A_231] : memref<10240x64xf32, #tpu.memory_space<hbm>> -> memref<10240x64xf32, #tpu.memory_space<hbm>>
      tpu.wait_indirect_dma semaphore(%arg18 : memref<!tpu.dma_semaphore, #tpu.memory_space<semaphore_mem>>) src(%dma_wait3A_232 : memref<10240x64xf32, #tpu.memory_space<hbm>>) dst(%arg9 : memref<128x64xf32, #tpu.memory_space<vmem>>)
      %add3A_233 = arith.constant 1 : i32
      %add3A_234 = arith.addi %mul3A_180, %add3A_233 : i32
      %dma_start3A_235 = arith.constant 0 : i32
      %dma_start3A_236 = tpu.memref_slice %arg7[%add3A_234, %dma_start3A_235] : memref<80x128xi32, #tpu.memory_space<vmem>> -> memref<1x128xi32, #tpu.memory_space<vmem>>
      %dma_start3A_237 = tpu.memref_squeeze %dma_start3A_236 : memref<1x128xi32, #tpu.memory_space<vmem>> -> memref<128xi32, #tpu.memory_space<vmem>>
      %dma_start3A_238 = arith.constant 0 : i32
      %dma_start3A_239 = arith.constant 0 : i32
      %dma_start3A_240 = tpu.memref_slice %arg16[%dma_start3A_238, %dma_start3A_239] : memref<10240x64xf32, #tpu.memory_space<vmem_shared>> -> memref<10240x64xf32, #tpu.memory_space<vmem_shared>>
      tpu.enqueue_indirect_dma source(%arg9 : memref<128x64xf32, #tpu.memory_space<vmem>>) target(%dma_start3A_240 : memref<10240x64xf32, #tpu.memory_space<vmem_shared>>) offsets(%dma_start3A_237 : memref<128xi32, #tpu.memory_space<vmem>>) semaphore(%arg26 : memref<!tpu.dma_semaphore, #tpu.memory_space<semaphore_mem>>) {add = true}
      %dma_wait3A_241 = arith.constant 0 : i32
      %dma_wait3A_242 = tpu.memref_slice %arg6[%add3A_198, %dma_wait3A_241] : memref<80x128xi32, #tpu.memory_space<vmem>> -> memref<1x128xi32, #tpu.memory_space<vmem>>
      %dma_wait3A_243 = tpu.memref_squeeze %dma_wait3A_242 : memref<1x128xi32, #tpu.memory_space<vmem>> -> memref<128xi32, #tpu.memory_space<vmem>>
      %dma_wait3A_244 = arith.constant 0 : i32
      %dma_wait3A_245 = arith.constant 0 : i32
      %dma_wait3A_246 = tpu.memref_slice %arg2[%dma_wait3A_244, %dma_wait3A_245] : memref<10240x64xf32, #tpu.memory_space<hbm>> -> memref<10240x64xf32, #tpu.memory_space<hbm>>
      tpu.wait_indirect_dma semaphore(%arg19 : memref<!tpu.dma_semaphore, #tpu.memory_space<semaphore_mem>>) src(%dma_wait3A_246 : memref<10240x64xf32, #tpu.memory_space<hbm>>) dst(%arg10 : memref<128x64xf32, #tpu.memory_space<vmem>>)
      %add3A_247 = arith.constant 2 : i32
      %add3A_248 = arith.addi %mul3A_180, %add3A_247 : i32
      %dma_start3A_249 = arith.constant 0 : i32
      %dma_start3A_250 = tpu.memref_slice %arg7[%add3A_248, %dma_start3A_249] : memref<80x128xi32, #tpu.memory_space<vmem>> -> memref<1x128xi32, #tpu.memory_space<vmem>>
      %dma_start3A_251 = tpu.memref_squeeze %dma_start3A_250 : memref<1x128xi32, #tpu.memory_space<vmem>> -> memref<128xi32, #tpu.memory_space<vmem>>
      %dma_start3A_252 = arith.constant 0 : i32
      %dma_start3A_253 = arith.constant 0 : i32
      %dma_start3A_254 = tpu.memref_slice %arg16[%dma_start3A_252, %dma_start3A_253] : memref<10240x64xf32, #tpu.memory_space<vmem_shared>> -> memref<10240x64xf32, #tpu.memory_space<vmem_shared>>
      tpu.enqueue_indirect_dma source(%arg10 : memref<128x64xf32, #tpu.memory_space<vmem>>) target(%dma_start3A_254 : memref<10240x64xf32, #tpu.memory_space<vmem_shared>>) offsets(%dma_start3A_251 : memref<128xi32, #tpu.memory_space<vmem>>) semaphore(%arg27 : memref<!tpu.dma_semaphore, #tpu.memory_space<semaphore_mem>>) {add = true}
      %dma_wait3A_255 = arith.constant 0 : i32
      %dma_wait3A_256 = tpu.memref_slice %arg6[%add3A_206, %dma_wait3A_255] : memref<80x128xi32, #tpu.memory_space<vmem>> -> memref<1x128xi32, #tpu.memory_space<vmem>>
      %dma_wait3A_257 = tpu.memref_squeeze %dma_wait3A_256 : memref<1x128xi32, #tpu.memory_space<vmem>> -> memref<128xi32, #tpu.memory_space<vmem>>
      %dma_wait3A_258 = arith.constant 0 : i32
      %dma_wait3A_259 = arith.constant 0 : i32
      %dma_wait3A_260 = tpu.memref_slice %arg2[%dma_wait3A_258, %dma_wait3A_259] : memref<10240x64xf32, #tpu.memory_space<hbm>> -> memref<10240x64xf32, #tpu.memory_space<hbm>>
      tpu.wait_indirect_dma semaphore(%arg20 : memref<!tpu.dma_semaphore, #tpu.memory_space<semaphore_mem>>) src(%dma_wait3A_260 : memref<10240x64xf32, #tpu.memory_space<hbm>>) dst(%arg11 : memref<128x64xf32, #tpu.memory_space<vmem>>)
      %add3A_261 = arith.constant 3 : i32
      %add3A_262 = arith.addi %mul3A_180, %add3A_261 : i32
      %dma_start3A_263 = arith.constant 0 : i32
      %dma_start3A_264 = tpu.memref_slice %arg7[%add3A_262, %dma_start3A_263] : memref<80x128xi32, #tpu.memory_space<vmem>> -> memref<1x128xi32, #tpu.memory_space<vmem>>
      %dma_start3A_265 = tpu.memref_squeeze %dma_start3A_264 : memref<1x128xi32, #tpu.memory_space<vmem>> -> memref<128xi32, #tpu.memory_space<vmem>>
      %dma_start3A_266 = arith.constant 0 : i32
      %dma_start3A_267 = arith.constant 0 : i32
      %dma_start3A_268 = tpu.memref_slice %arg16[%dma_start3A_266, %dma_start3A_267] : memref<10240x64xf32, #tpu.memory_space<vmem_shared>> -> memref<10240x64xf32, #tpu.memory_space<vmem_shared>>
      tpu.enqueue_indirect_dma source(%arg11 : memref<128x64xf32, #tpu.memory_space<vmem>>) target(%dma_start3A_268 : memref<10240x64xf32, #tpu.memory_space<vmem_shared>>) offsets(%dma_start3A_265 : memref<128xi32, #tpu.memory_space<vmem>>) semaphore(%arg28 : memref<!tpu.dma_semaphore, #tpu.memory_space<semaphore_mem>>) {add = true}
      %gt3A_269 = arith.constant 0 : i32
      %gt3A_270 = arith.cmpi sgt, %scan3A_172, %gt3A_269 : i32
      %convert_element_type3A_271 = arith.extui %gt3A_270 : i1 to i32
      %cond3A_272 = arith.constant 0 : i32
      %cond3A_273 = arith.cmpi ne, %convert_element_type3A_271, %cond3A_272 : i32
      scf.if %cond3A_273 {
        %dma_wait3A_368 = arith.constant 0 : i32
        %dma_wait3A_369 = arith.constant 0 : i32
        %dma_wait3A_370 = tpu.memref_slice %arg7[%dma_wait3A_368, %dma_wait3A_369] : memref<80x128xi32, #tpu.memory_space<vmem>> -> memref<1x128xi32, #tpu.memory_space<vmem>>
        %dma_wait3A_371 = tpu.memref_squeeze %dma_wait3A_370 : memref<1x128xi32, #tpu.memory_space<vmem>> -> memref<128xi32, #tpu.memory_space<vmem>>
        %dma_wait3A_372 = arith.constant 0 : i32
        %dma_wait3A_373 = arith.constant 0 : i32
        %dma_wait3A_374 = tpu.memref_slice %arg16[%dma_wait3A_372, %dma_wait3A_373] : memref<10240x64xf32, #tpu.memory_space<vmem_shared>> -> memref<10240x64xf32, #tpu.memory_space<vmem_shared>>
        tpu.wait_indirect_dma semaphore(%arg29 : memref<!tpu.dma_semaphore, #tpu.memory_space<semaphore_mem>>) src(%arg12 : memref<128x64xf32, #tpu.memory_space<vmem>>) dst(%dma_wait3A_374 : memref<10240x64xf32, #tpu.memory_space<vmem_shared>>)
        %dma_wait3A_375 = arith.constant 0 : i32
        %dma_wait3A_376 = arith.constant 0 : i32
        %dma_wait3A_377 = tpu.memref_slice %arg7[%dma_wait3A_375, %dma_wait3A_376] : memref<80x128xi32, #tpu.memory_space<vmem>> -> memref<1x128xi32, #tpu.memory_space<vmem>>
        %dma_wait3A_378 = tpu.memref_squeeze %dma_wait3A_377 : memref<1x128xi32, #tpu.memory_space<vmem>> -> memref<128xi32, #tpu.memory_space<vmem>>
        %dma_wait3A_379 = arith.constant 0 : i32
        %dma_wait3A_380 = arith.constant 0 : i32
        %dma_wait3A_381 = tpu.memref_slice %arg16[%dma_wait3A_379, %dma_wait3A_380] : memref<10240x64xf32, #tpu.memory_space<vmem_shared>> -> memref<10240x64xf32, #tpu.memory_space<vmem_shared>>
        tpu.wait_indirect_dma semaphore(%arg30 : memref<!tpu.dma_semaphore, #tpu.memory_space<semaphore_mem>>) src(%arg13 : memref<128x64xf32, #tpu.memory_space<vmem>>) dst(%dma_wait3A_381 : memref<10240x64xf32, #tpu.memory_space<vmem_shared>>)
        %dma_wait3A_382 = arith.constant 0 : i32
        %dma_wait3A_383 = arith.constant 0 : i32
        %dma_wait3A_384 = tpu.memref_slice %arg7[%dma_wait3A_382, %dma_wait3A_383] : memref<80x128xi32, #tpu.memory_space<vmem>> -> memref<1x128xi32, #tpu.memory_space<vmem>>
        %dma_wait3A_385 = tpu.memref_squeeze %dma_wait3A_384 : memref<1x128xi32, #tpu.memory_space<vmem>> -> memref<128xi32, #tpu.memory_space<vmem>>
        %dma_wait3A_386 = arith.constant 0 : i32
        %dma_wait3A_387 = arith.constant 0 : i32
        %dma_wait3A_388 = tpu.memref_slice %arg16[%dma_wait3A_386, %dma_wait3A_387] : memref<10240x64xf32, #tpu.memory_space<vmem_shared>> -> memref<10240x64xf32, #tpu.memory_space<vmem_shared>>
        tpu.wait_indirect_dma semaphore(%arg31 : memref<!tpu.dma_semaphore, #tpu.memory_space<semaphore_mem>>) src(%arg14 : memref<128x64xf32, #tpu.memory_space<vmem>>) dst(%dma_wait3A_388 : memref<10240x64xf32, #tpu.memory_space<vmem_shared>>)
        %dma_wait3A_389 = arith.constant 0 : i32
        %dma_wait3A_390 = arith.constant 0 : i32
        %dma_wait3A_391 = tpu.memref_slice %arg7[%dma_wait3A_389, %dma_wait3A_390] : memref<80x128xi32, #tpu.memory_space<vmem>> -> memref<1x128xi32, #tpu.memory_space<vmem>>
        %dma_wait3A_392 = tpu.memref_squeeze %dma_wait3A_391 : memref<1x128xi32, #tpu.memory_space<vmem>> -> memref<128xi32, #tpu.memory_space<vmem>>
        %dma_wait3A_393 = arith.constant 0 : i32
        %dma_wait3A_394 = arith.constant 0 : i32
        %dma_wait3A_395 = tpu.memref_slice %arg16[%dma_wait3A_393, %dma_wait3A_394] : memref<10240x64xf32, #tpu.memory_space<vmem_shared>> -> memref<10240x64xf32, #tpu.memory_space<vmem_shared>>
        tpu.wait_indirect_dma semaphore(%arg32 : memref<!tpu.dma_semaphore, #tpu.memory_space<semaphore_mem>>) src(%arg15 : memref<128x64xf32, #tpu.memory_space<vmem>>) dst(%dma_wait3A_395 : memref<10240x64xf32, #tpu.memory_space<vmem_shared>>)
      } else {
      }
      %mul3A_274 = arith.constant 2 : i32
      %mul3A_275 = arith.muli %mul3A_274, %scan3A_172 : i32
      %add3A_276 = arith.constant 1 : i32
      %add3A_277 = arith.addi %mul3A_275, %add3A_276 : i32
      %mul3A_278 = arith.constant 4 : i32
      %mul3A_279 = arith.muli %add3A_277, %mul3A_278 : i32
      %add3A_280 = arith.constant 0 : i32
      %add3A_281 = arith.addi %mul3A_279, %add3A_280 : i32
      %dma_start3A_282 = arith.constant 0 : i32
      %dma_start3A_283 = tpu.memref_slice %arg6[%add3A_281, %dma_start3A_282] : memref<80x128xi32, #tpu.memory_space<vmem>> -> memref<1x128xi32, #tpu.memory_space<vmem>>
      %dma_start3A_284 = tpu.memref_squeeze %dma_start3A_283 : memref<1x128xi32, #tpu.memory_space<vmem>> -> memref<128xi32, #tpu.memory_space<vmem>>
      %dma_start3A_285 = arith.constant 0 : i32
      %dma_start3A_286 = arith.constant 0 : i32
      %dma_start3A_287 = tpu.memref_slice %arg2[%dma_start3A_285, %dma_start3A_286] : memref<10240x64xf32, #tpu.memory_space<hbm>> -> memref<10240x64xf32, #tpu.memory_space<hbm>>
      tpu.enqueue_indirect_dma source(%dma_start3A_287 : memref<10240x64xf32, #tpu.memory_space<hbm>>) target(%arg12 : memref<128x64xf32, #tpu.memory_space<vmem>>) offsets(%dma_start3A_284 : memref<128xi32, #tpu.memory_space<vmem>>) semaphore(%arg21 : memref<!tpu.dma_semaphore, #tpu.memory_space<semaphore_mem>>)
      %add3A_288 = arith.constant 1 : i32
      %add3A_289 = arith.addi %mul3A_279, %add3A_288 : i32
      %dma_start3A_290 = arith.constant 0 : i32
      %dma_start3A_291 = tpu.memref_slice %arg6[%add3A_289, %dma_start3A_290] : memref<80x128xi32, #tpu.memory_space<vmem>> -> memref<1x128xi32, #tpu.memory_space<vmem>>
      %dma_start3A_292 = tpu.memref_squeeze %dma_start3A_291 : memref<1x128xi32, #tpu.memory_space<vmem>> -> memref<128xi32, #tpu.memory_space<vmem>>
      %dma_start3A_293 = arith.constant 0 : i32
      %dma_start3A_294 = arith.constant 0 : i32
      %dma_start3A_295 = tpu.memref_slice %arg2[%dma_start3A_293, %dma_start3A_294] : memref<10240x64xf32, #tpu.memory_space<hbm>> -> memref<10240x64xf32, #tpu.memory_space<hbm>>
      tpu.enqueue_indirect_dma source(%dma_start3A_295 : memref<10240x64xf32, #tpu.memory_space<hbm>>) target(%arg13 : memref<128x64xf32, #tpu.memory_space<vmem>>) offsets(%dma_start3A_292 : memref<128xi32, #tpu.memory_space<vmem>>) semaphore(%arg22 : memref<!tpu.dma_semaphore, #tpu.memory_space<semaphore_mem>>)
      %add3A_296 = arith.constant 2 : i32
      %add3A_297 = arith.addi %mul3A_279, %add3A_296 : i32
      %dma_start3A_298 = arith.constant 0 : i32
      %dma_start3A_299 = tpu.memref_slice %arg6[%add3A_297, %dma_start3A_298] : memref<80x128xi32, #tpu.memory_space<vmem>> -> memref<1x128xi32, #tpu.memory_space<vmem>>
      %dma_start3A_300 = tpu.memref_squeeze %dma_start3A_299 : memref<1x128xi32, #tpu.memory_space<vmem>> -> memref<128xi32, #tpu.memory_space<vmem>>
      %dma_start3A_301 = arith.constant 0 : i32
      %dma_start3A_302 = arith.constant 0 : i32
      %dma_start3A_303 = tpu.memref_slice %arg2[%dma_start3A_301, %dma_start3A_302] : memref<10240x64xf32, #tpu.memory_space<hbm>> -> memref<10240x64xf32, #tpu.memory_space<hbm>>
      tpu.enqueue_indirect_dma source(%dma_start3A_303 : memref<10240x64xf32, #tpu.memory_space<hbm>>) target(%arg14 : memref<128x64xf32, #tpu.memory_space<vmem>>) offsets(%dma_start3A_300 : memref<128xi32, #tpu.memory_space<vmem>>) semaphore(%arg23 : memref<!tpu.dma_semaphore, #tpu.memory_space<semaphore_mem>>)
      %add3A_304 = arith.constant 3 : i32
      %add3A_305 = arith.addi %mul3A_279, %add3A_304 : i32
      %dma_start3A_306 = arith.constant 0 : i32
      %dma_start3A_307 = tpu.memref_slice %arg6[%add3A_305, %dma_start3A_306] : memref<80x128xi32, #tpu.memory_space<vmem>> -> memref<1x128xi32, #tpu.memory_space<vmem>>
      %dma_start3A_308 = tpu.memref_squeeze %dma_start3A_307 : memref<1x128xi32, #tpu.memory_space<vmem>> -> memref<128xi32, #tpu.memory_space<vmem>>
      %dma_start3A_309 = arith.constant 0 : i32
      %dma_start3A_310 = arith.constant 0 : i32
      %dma_start3A_311 = tpu.memref_slice %arg2[%dma_start3A_309, %dma_start3A_310] : memref<10240x64xf32, #tpu.memory_space<hbm>> -> memref<10240x64xf32, #tpu.memory_space<hbm>>
      tpu.enqueue_indirect_dma source(%dma_start3A_311 : memref<10240x64xf32, #tpu.memory_space<hbm>>) target(%arg15 : memref<128x64xf32, #tpu.memory_space<vmem>>) offsets(%dma_start3A_308 : memref<128xi32, #tpu.memory_space<vmem>>) semaphore(%arg24 : memref<!tpu.dma_semaphore, #tpu.memory_space<semaphore_mem>>)
      %dma_wait3A_312 = arith.constant 0 : i32
      %dma_wait3A_313 = tpu.memref_slice %arg6[%add3A_281, %dma_wait3A_312] : memref<80x128xi32, #tpu.memory_space<vmem>> -> memref<1x128xi32, #tpu.memory_space<vmem>>
      %dma_wait3A_314 = tpu.memref_squeeze %dma_wait3A_313 : memref<1x128xi32, #tpu.memory_space<vmem>> -> memref<128xi32, #tpu.memory_space<vmem>>
      %dma_wait3A_315 = arith.constant 0 : i32
      %dma_wait3A_316 = arith.constant 0 : i32
      %dma_wait3A_317 = tpu.memref_slice %arg2[%dma_wait3A_315, %dma_wait3A_316] : memref<10240x64xf32, #tpu.memory_space<hbm>> -> memref<10240x64xf32, #tpu.memory_space<hbm>>
      tpu.wait_indirect_dma semaphore(%arg21 : memref<!tpu.dma_semaphore, #tpu.memory_space<semaphore_mem>>) src(%dma_wait3A_317 : memref<10240x64xf32, #tpu.memory_space<hbm>>) dst(%arg12 : memref<128x64xf32, #tpu.memory_space<vmem>>)
      %add3A_318 = arith.constant 0 : i32
      %add3A_319 = arith.addi %mul3A_279, %add3A_318 : i32
      %dma_start3A_320 = arith.constant 0 : i32
      %dma_start3A_321 = tpu.memref_slice %arg7[%add3A_319, %dma_start3A_320] : memref<80x128xi32, #tpu.memory_space<vmem>> -> memref<1x128xi32, #tpu.memory_space<vmem>>
      %dma_start3A_322 = tpu.memref_squeeze %dma_start3A_321 : memref<1x128xi32, #tpu.memory_space<vmem>> -> memref<128xi32, #tpu.memory_space<vmem>>
      %dma_start3A_323 = arith.constant 0 : i32
      %dma_start3A_324 = arith.constant 0 : i32
      %dma_start3A_325 = tpu.memref_slice %arg16[%dma_start3A_323, %dma_start3A_324] : memref<10240x64xf32, #tpu.memory_space<vmem_shared>> -> memref<10240x64xf32, #tpu.memory_space<vmem_shared>>
      tpu.enqueue_indirect_dma source(%arg12 : memref<128x64xf32, #tpu.memory_space<vmem>>) target(%dma_start3A_325 : memref<10240x64xf32, #tpu.memory_space<vmem_shared>>) offsets(%dma_start3A_322 : memref<128xi32, #tpu.memory_space<vmem>>) semaphore(%arg29 : memref<!tpu.dma_semaphore, #tpu.memory_space<semaphore_mem>>) {add = true}
      %dma_wait3A_326 = arith.constant 0 : i32
      %dma_wait3A_327 = tpu.memref_slice %arg6[%add3A_289, %dma_wait3A_326] : memref<80x128xi32, #tpu.memory_space<vmem>> -> memref<1x128xi32, #tpu.memory_space<vmem>>
      %dma_wait3A_328 = tpu.memref_squeeze %dma_wait3A_327 : memref<1x128xi32, #tpu.memory_space<vmem>> -> memref<128xi32, #tpu.memory_space<vmem>>
      %dma_wait3A_329 = arith.constant 0 : i32
      %dma_wait3A_330 = arith.constant 0 : i32
      %dma_wait3A_331 = tpu.memref_slice %arg2[%dma_wait3A_329, %dma_wait3A_330] : memref<10240x64xf32, #tpu.memory_space<hbm>> -> memref<10240x64xf32, #tpu.memory_space<hbm>>
      tpu.wait_indirect_dma semaphore(%arg22 : memref<!tpu.dma_semaphore, #tpu.memory_space<semaphore_mem>>) src(%dma_wait3A_331 : memref<10240x64xf32, #tpu.memory_space<hbm>>) dst(%arg13 : memref<128x64xf32, #tpu.memory_space<vmem>>)
      %add3A_332 = arith.constant 1 : i32
      %add3A_333 = arith.addi %mul3A_279, %add3A_332 : i32
      %dma_start3A_334 = arith.constant 0 : i32
      %dma_start3A_335 = tpu.memref_slice %arg7[%add3A_333, %dma_start3A_334] : memref<80x128xi32, #tpu.memory_space<vmem>> -> memref<1x128xi32, #tpu.memory_space<vmem>>
      %dma_start3A_336 = tpu.memref_squeeze %dma_start3A_335 : memref<1x128xi32, #tpu.memory_space<vmem>> -> memref<128xi32, #tpu.memory_space<vmem>>
      %dma_start3A_337 = arith.constant 0 : i32
      %dma_start3A_338 = arith.constant 0 : i32
      %dma_start3A_339 = tpu.memref_slice %arg16[%dma_start3A_337, %dma_start3A_338] : memref<10240x64xf32, #tpu.memory_space<vmem_shared>> -> memref<10240x64xf32, #tpu.memory_space<vmem_shared>>
      tpu.enqueue_indirect_dma source(%arg13 : memref<128x64xf32, #tpu.memory_space<vmem>>) target(%dma_start3A_339 : memref<10240x64xf32, #tpu.memory_space<vmem_shared>>) offsets(%dma_start3A_336 : memref<128xi32, #tpu.memory_space<vmem>>) semaphore(%arg30 : memref<!tpu.dma_semaphore, #tpu.memory_space<semaphore_mem>>) {add = true}
      %dma_wait3A_340 = arith.constant 0 : i32
      %dma_wait3A_341 = tpu.memref_slice %arg6[%add3A_297, %dma_wait3A_340] : memref<80x128xi32, #tpu.memory_space<vmem>> -> memref<1x128xi32, #tpu.memory_space<vmem>>
      %dma_wait3A_342 = tpu.memref_squeeze %dma_wait3A_341 : memref<1x128xi32, #tpu.memory_space<vmem>> -> memref<128xi32, #tpu.memory_space<vmem>>
      %dma_wait3A_343 = arith.constant 0 : i32
      %dma_wait3A_344 = arith.constant 0 : i32
      %dma_wait3A_345 = tpu.memref_slice %arg2[%dma_wait3A_343, %dma_wait3A_344] : memref<10240x64xf32, #tpu.memory_space<hbm>> -> memref<10240x64xf32, #tpu.memory_space<hbm>>
      tpu.wait_indirect_dma semaphore(%arg23 : memref<!tpu.dma_semaphore, #tpu.memory_space<semaphore_mem>>) src(%dma_wait3A_345 : memref<10240x64xf32, #tpu.memory_space<hbm>>) dst(%arg14 : memref<128x64xf32, #tpu.memory_space<vmem>>)
      %add3A_346 = arith.constant 2 : i32
      %add3A_347 = arith.addi %mul3A_279, %add3A_346 : i32
      %dma_start3A_348 = arith.constant 0 : i32
      %dma_start3A_349 = tpu.memref_slice %arg7[%add3A_347, %dma_start3A_348] : memref<80x128xi32, #tpu.memory_space<vmem>> -> memref<1x128xi32, #tpu.memory_space<vmem>>
      %dma_start3A_350 = tpu.memref_squeeze %dma_start3A_349 : memref<1x128xi32, #tpu.memory_space<vmem>> -> memref<128xi32, #tpu.memory_space<vmem>>
      %dma_start3A_351 = arith.constant 0 : i32
      %dma_start3A_352 = arith.constant 0 : i32
      %dma_start3A_353 = tpu.memref_slice %arg16[%dma_start3A_351, %dma_start3A_352] : memref<10240x64xf32, #tpu.memory_space<vmem_shared>> -> memref<10240x64xf32, #tpu.memory_space<vmem_shared>>
      tpu.enqueue_indirect_dma source(%arg14 : memref<128x64xf32, #tpu.memory_space<vmem>>) target(%dma_start3A_353 : memref<10240x64xf32, #tpu.memory_space<vmem_shared>>) offsets(%dma_start3A_350 : memref<128xi32, #tpu.memory_space<vmem>>) semaphore(%arg31 : memref<!tpu.dma_semaphore, #tpu.memory_space<semaphore_mem>>) {add = true}
      %dma_wait3A_354 = arith.constant 0 : i32
      %dma_wait3A_355 = tpu.memref_slice %arg6[%add3A_305, %dma_wait3A_354] : memref<80x128xi32, #tpu.memory_space<vmem>> -> memref<1x128xi32, #tpu.memory_space<vmem>>
      %dma_wait3A_356 = tpu.memref_squeeze %dma_wait3A_355 : memref<1x128xi32, #tpu.memory_space<vmem>> -> memref<128xi32, #tpu.memory_space<vmem>>
      %dma_wait3A_357 = arith.constant 0 : i32
      %dma_wait3A_358 = arith.constant 0 : i32
      %dma_wait3A_359 = tpu.memref_slice %arg2[%dma_wait3A_357, %dma_wait3A_358] : memref<10240x64xf32, #tpu.memory_space<hbm>> -> memref<10240x64xf32, #tpu.memory_space<hbm>>
      tpu.wait_indirect_dma semaphore(%arg24 : memref<!tpu.dma_semaphore, #tpu.memory_space<semaphore_mem>>) src(%dma_wait3A_359 : memref<10240x64xf32, #tpu.memory_space<hbm>>) dst(%arg15 : memref<128x64xf32, #tpu.memory_space<vmem>>)
      %add3A_360 = arith.constant 3 : i32
      %add3A_361 = arith.addi %mul3A_279, %add3A_360 : i32
      %dma_start3A_362 = arith.constant 0 : i32
      %dma_start3A_363 = tpu.memref_slice %arg7[%add3A_361, %dma_start3A_362] : memref<80x128xi32, #tpu.memory_space<vmem>> -> memref<1x128xi32, #tpu.memory_space<vmem>>
      %dma_start3A_364 = tpu.memref_squeeze %dma_start3A_363 : memref<1x128xi32, #tpu.memory_space<vmem>> -> memref<128xi32, #tpu.memory_space<vmem>>
      %dma_start3A_365 = arith.constant 0 : i32
      %dma_start3A_366 = arith.constant 0 : i32
      %dma_start3A_367 = tpu.memref_slice %arg16[%dma_start3A_365, %dma_start3A_366] : memref<10240x64xf32, #tpu.memory_space<vmem_shared>> -> memref<10240x64xf32, #tpu.memory_space<vmem_shared>>
      tpu.enqueue_indirect_dma source(%arg15 : memref<128x64xf32, #tpu.memory_space<vmem>>) target(%dma_start3A_367 : memref<10240x64xf32, #tpu.memory_space<vmem_shared>>) offsets(%dma_start3A_364 : memref<128xi32, #tpu.memory_space<vmem>>) semaphore(%arg32 : memref<!tpu.dma_semaphore, #tpu.memory_space<semaphore_mem>>) {add = true}
    }
    %scan3A_112 = arith.constant 10 : i32
    %dma_wait3A_113 = arith.constant 0 : i32
    %dma_wait3A_114 = arith.constant 0 : i32
    %dma_wait3A_115 = tpu.memref_slice %arg7[%dma_wait3A_113, %dma_wait3A_114] : memref<80x128xi32, #tpu.memory_space<vmem>> -> memref<1x128xi32, #tpu.memory_space<vmem>>
    %dma_wait3A_116 = tpu.memref_squeeze %dma_wait3A_115 : memref<1x128xi32, #tpu.memory_space<vmem>> -> memref<128xi32, #tpu.memory_space<vmem>>
    %dma_wait3A_117 = arith.constant 0 : i32
    %dma_wait3A_118 = arith.constant 0 : i32
    %dma_wait3A_119 = tpu.memref_slice %arg16[%dma_wait3A_117, %dma_wait3A_118] : memref<10240x64xf32, #tpu.memory_space<vmem_shared>> -> memref<10240x64xf32, #tpu.memory_space<vmem_shared>>
    tpu.wait_indirect_dma semaphore(%arg25 : memref<!tpu.dma_semaphore, #tpu.memory_space<semaphore_mem>>) src(%arg8 : memref<128x64xf32, #tpu.memory_space<vmem>>) dst(%dma_wait3A_119 : memref<10240x64xf32, #tpu.memory_space<vmem_shared>>)
    %dma_wait3A_120 = arith.constant 0 : i32
    %dma_wait3A_121 = arith.constant 0 : i32
    %dma_wait3A_122 = tpu.memref_slice %arg7[%dma_wait3A_120, %dma_wait3A_121] : memref<80x128xi32, #tpu.memory_space<vmem>> -> memref<1x128xi32, #tpu.memory_space<vmem>>
    %dma_wait3A_123 = tpu.memref_squeeze %dma_wait3A_122 : memref<1x128xi32, #tpu.memory_space<vmem>> -> memref<128xi32, #tpu.memory_space<vmem>>
    %dma_wait3A_124 = arith.constant 0 : i32
    %dma_wait3A_125 = arith.constant 0 : i32
    %dma_wait3A_126 = tpu.memref_slice %arg16[%dma_wait3A_124, %dma_wait3A_125] : memref<10240x64xf32, #tpu.memory_space<vmem_shared>> -> memref<10240x64xf32, #tpu.memory_space<vmem_shared>>
    tpu.wait_indirect_dma semaphore(%arg26 : memref<!tpu.dma_semaphore, #tpu.memory_space<semaphore_mem>>) src(%arg9 : memref<128x64xf32, #tpu.memory_space<vmem>>) dst(%dma_wait3A_126 : memref<10240x64xf32, #tpu.memory_space<vmem_shared>>)
    %dma_wait3A_127 = arith.constant 0 : i32
    %dma_wait3A_128 = arith.constant 0 : i32
    %dma_wait3A_129 = tpu.memref_slice %arg7[%dma_wait3A_127, %dma_wait3A_128] : memref<80x128xi32, #tpu.memory_space<vmem>> -> memref<1x128xi32, #tpu.memory_space<vmem>>
    %dma_wait3A_130 = tpu.memref_squeeze %dma_wait3A_129 : memref<1x128xi32, #tpu.memory_space<vmem>> -> memref<128xi32, #tpu.memory_space<vmem>>
    %dma_wait3A_131 = arith.constant 0 : i32
    %dma_wait3A_132 = arith.constant 0 : i32
    %dma_wait3A_133 = tpu.memref_slice %arg16[%dma_wait3A_131, %dma_wait3A_132] : memref<10240x64xf32, #tpu.memory_space<vmem_shared>> -> memref<10240x64xf32, #tpu.memory_space<vmem_shared>>
    tpu.wait_indirect_dma semaphore(%arg27 : memref<!tpu.dma_semaphore, #tpu.memory_space<semaphore_mem>>) src(%arg10 : memref<128x64xf32, #tpu.memory_space<vmem>>) dst(%dma_wait3A_133 : memref<10240x64xf32, #tpu.memory_space<vmem_shared>>)
    %dma_wait3A_134 = arith.constant 0 : i32
    %dma_wait3A_135 = arith.constant 0 : i32
    %dma_wait3A_136 = tpu.memref_slice %arg7[%dma_wait3A_134, %dma_wait3A_135] : memref<80x128xi32, #tpu.memory_space<vmem>> -> memref<1x128xi32, #tpu.memory_space<vmem>>
    %dma_wait3A_137 = tpu.memref_squeeze %dma_wait3A_136 : memref<1x128xi32, #tpu.memory_space<vmem>> -> memref<128xi32, #tpu.memory_space<vmem>>
    %dma_wait3A_138 = arith.constant 0 : i32
    %dma_wait3A_139 = arith.constant 0 : i32
    %dma_wait3A_140 = tpu.memref_slice %arg16[%dma_wait3A_138, %dma_wait3A_139] : memref<10240x64xf32, #tpu.memory_space<vmem_shared>> -> memref<10240x64xf32, #tpu.memory_space<vmem_shared>>
    tpu.wait_indirect_dma semaphore(%arg28 : memref<!tpu.dma_semaphore, #tpu.memory_space<semaphore_mem>>) src(%arg11 : memref<128x64xf32, #tpu.memory_space<vmem>>) dst(%dma_wait3A_140 : memref<10240x64xf32, #tpu.memory_space<vmem_shared>>)
    %dma_wait3A_141 = arith.constant 0 : i32
    %dma_wait3A_142 = arith.constant 0 : i32
    %dma_wait3A_143 = tpu.memref_slice %arg7[%dma_wait3A_141, %dma_wait3A_142] : memref<80x128xi32, #tpu.memory_space<vmem>> -> memref<1x128xi32, #tpu.memory_space<vmem>>
    %dma_wait3A_144 = tpu.memref_squeeze %dma_wait3A_143 : memref<1x128xi32, #tpu.memory_space<vmem>> -> memref<128xi32, #tpu.memory_space<vmem>>
    %dma_wait3A_145 = arith.constant 0 : i32
    %dma_wait3A_146 = arith.constant 0 : i32
    %dma_wait3A_147 = tpu.memref_slice %arg16[%dma_wait3A_145, %dma_wait3A_146] : memref<10240x64xf32, #tpu.memory_space<vmem_shared>> -> memref<10240x64xf32, #tpu.memory_space<vmem_shared>>
    tpu.wait_indirect_dma semaphore(%arg29 : memref<!tpu.dma_semaphore, #tpu.memory_space<semaphore_mem>>) src(%arg12 : memref<128x64xf32, #tpu.memory_space<vmem>>) dst(%dma_wait3A_147 : memref<10240x64xf32, #tpu.memory_space<vmem_shared>>)
    %dma_wait3A_148 = arith.constant 0 : i32
    %dma_wait3A_149 = arith.constant 0 : i32
    %dma_wait3A_150 = tpu.memref_slice %arg7[%dma_wait3A_148, %dma_wait3A_149] : memref<80x128xi32, #tpu.memory_space<vmem>> -> memref<1x128xi32, #tpu.memory_space<vmem>>
    %dma_wait3A_151 = tpu.memref_squeeze %dma_wait3A_150 : memref<1x128xi32, #tpu.memory_space<vmem>> -> memref<128xi32, #tpu.memory_space<vmem>>
    %dma_wait3A_152 = arith.constant 0 : i32
    %dma_wait3A_153 = arith.constant 0 : i32
    %dma_wait3A_154 = tpu.memref_slice %arg16[%dma_wait3A_152, %dma_wait3A_153] : memref<10240x64xf32, #tpu.memory_space<vmem_shared>> -> memref<10240x64xf32, #tpu.memory_space<vmem_shared>>
    tpu.wait_indirect_dma semaphore(%arg30 : memref<!tpu.dma_semaphore, #tpu.memory_space<semaphore_mem>>) src(%arg13 : memref<128x64xf32, #tpu.memory_space<vmem>>) dst(%dma_wait3A_154 : memref<10240x64xf32, #tpu.memory_space<vmem_shared>>)
    %dma_wait3A_155 = arith.constant 0 : i32
    %dma_wait3A_156 = arith.constant 0 : i32
    %dma_wait3A_157 = tpu.memref_slice %arg7[%dma_wait3A_155, %dma_wait3A_156] : memref<80x128xi32, #tpu.memory_space<vmem>> -> memref<1x128xi32, #tpu.memory_space<vmem>>
    %dma_wait3A_158 = tpu.memref_squeeze %dma_wait3A_157 : memref<1x128xi32, #tpu.memory_space<vmem>> -> memref<128xi32, #tpu.memory_space<vmem>>
    %dma_wait3A_159 = arith.constant 0 : i32
    %dma_wait3A_160 = arith.constant 0 : i32
    %dma_wait3A_161 = tpu.memref_slice %arg16[%dma_wait3A_159, %dma_wait3A_160] : memref<10240x64xf32, #tpu.memory_space<vmem_shared>> -> memref<10240x64xf32, #tpu.memory_space<vmem_shared>>
    tpu.wait_indirect_dma semaphore(%arg31 : memref<!tpu.dma_semaphore, #tpu.memory_space<semaphore_mem>>) src(%arg14 : memref<128x64xf32, #tpu.memory_space<vmem>>) dst(%dma_wait3A_161 : memref<10240x64xf32, #tpu.memory_space<vmem_shared>>)
    %dma_wait3A_162 = arith.constant 0 : i32
    %dma_wait3A_163 = arith.constant 0 : i32
    %dma_wait3A_164 = tpu.memref_slice %arg7[%dma_wait3A_162, %dma_wait3A_163] : memref<80x128xi32, #tpu.memory_space<vmem>> -> memref<1x128xi32, #tpu.memory_space<vmem>>
    %dma_wait3A_165 = tpu.memref_squeeze %dma_wait3A_164 : memref<1x128xi32, #tpu.memory_space<vmem>> -> memref<128xi32, #tpu.memory_space<vmem>>
    %dma_wait3A_166 = arith.constant 0 : i32
    %dma_wait3A_167 = arith.constant 0 : i32
    %dma_wait3A_168 = tpu.memref_slice %arg16[%dma_wait3A_166, %dma_wait3A_167] : memref<10240x64xf32, #tpu.memory_space<vmem_shared>> -> memref<10240x64xf32, #tpu.memory_space<vmem_shared>>
    tpu.wait_indirect_dma semaphore(%arg32 : memref<!tpu.dma_semaphore, #tpu.memory_space<semaphore_mem>>) src(%arg15 : memref<128x64xf32, #tpu.memory_space<vmem>>) dst(%dma_wait3A_168 : memref<10240x64xf32, #tpu.memory_space<vmem_shared>>)
    %barrier3A_169 = arith.constant 0 : index
    tpu.barrier barrier_id(%barrier3A_169)
    %mul3A_170 = arith.constant 640 : i32
    %mul3A_171 = arith.muli %arg1, %mul3A_170 : i32
    "tpu.region"() ({
      %run_scoped3A = tpu.sem_alloc : memref<!tpu.dma_semaphore, #tpu.memory_space<semaphore_mem>>
      %dma_start3A_172 = arith.constant 0 : i32
      %dma_start3A_173 = tpu.memref_slice %arg5[%arg0, %mul3A_171, %dma_start3A_172] : memref<2x10240x64xf32, #tpu.memory_space<hbm>> -> memref<1x640x64xf32, #tpu.memory_space<hbm>>
      %dma_start3A_174 = tpu.memref_squeeze %dma_start3A_173 : memref<1x640x64xf32, #tpu.memory_space<hbm>> -> memref<640x64xf32, #tpu.memory_space<hbm>>
      %dma_start3A_175 = arith.constant 0 : i32
      %dma_start3A_176 = tpu.memref_slice %arg16[%mul3A_171, %dma_start3A_175] : memref<10240x64xf32, #tpu.memory_space<vmem_shared>> -> memref<640x64xf32, #tpu.memory_space<vmem_shared>>
      tpu.enqueue_dma source(%dma_start3A_176 : memref<640x64xf32, #tpu.memory_space<vmem_shared>>) target(%dma_start3A_174 : memref<640x64xf32, #tpu.memory_space<hbm>>) target_semaphore(%run_scoped3A : memref<!tpu.dma_semaphore, #tpu.memory_space<semaphore_mem>>)
      %dma_wait3A_177 = arith.constant 0 : i32
      %dma_wait3A_178 = tpu.memref_slice %arg5[%arg0, %mul3A_171, %dma_wait3A_177] : memref<2x10240x64xf32, #tpu.memory_space<hbm>> -> memref<1x640x64xf32, #tpu.memory_space<hbm>>
      %dma_wait3A_179 = tpu.memref_squeeze %dma_wait3A_178 : memref<1x640x64xf32, #tpu.memory_space<hbm>> -> memref<640x64xf32, #tpu.memory_space<hbm>>
      %dma_wait3A_180 = arith.constant 0 : i32
      %dma_wait3A_181 = tpu.memref_slice %arg16[%mul3A_171, %dma_wait3A_180] : memref<10240x64xf32, #tpu.memory_space<vmem_shared>> -> memref<640x64xf32, #tpu.memory_space<vmem_shared>>
      tpu.wait_dma2 semaphore(%run_scoped3A : memref<!tpu.dma_semaphore, #tpu.memory_space<semaphore_mem>>) src(%dma_wait3A_181 : memref<640x64xf32, #tpu.memory_space<vmem_shared>>) dst(%dma_wait3A_179 : memref<640x64xf32, #tpu.memory_space<hbm>>)
      tpu.yield
    }) : () -> ()
    return
  }
}

module attributes {stable_mosaic.version = 14 : i64} {
  func.func @_mm_body(%arg0: i32, %arg1: memref<2048x128xf32, #tpu.memory_space<vmem>>, %arg2: memref<128x64xf32, #tpu.memory_space<vmem>>, %arg3: memref<2048x64xf32, #tpu.memory_space<vmem>>) attributes {dimension_semantics = [#tpu.dimension_semantics<arbitrary>], iteration_bounds = array<i64: 5>, scalar_prefetch = 0 : i64, scratch_operands = 0 : i64, tpu.core_type = #tpu.core_type<tc>, window_params = [{transform_indices = @transform_0, window_bounds = array<i64: 2048, 128>}, {pipeline_mode = #tpu.pipeline_mode<synchronous>, transform_indices = @transform_1, window_bounds = array<i64: 128, 64>}, {transform_indices = @transform_2, window_bounds = array<i64: 2048, 64>}]} {
    %get3A = arith.constant 0 : index
    %get3A_0 = arith.constant 0 : index
    %get3A_1 = vector.load %arg1[%get3A, %get3A_0] : memref<2048x128xf32, #tpu.memory_space<vmem>>, vector<2048x128xf32>
    %get3A_2 = arith.constant 0 : index
    %get3A_3 = arith.constant 0 : index
    %get3A_4 = vector.load %arg2[%get3A_2, %get3A_3] : memref<128x64xf32, #tpu.memory_space<vmem>>, vector<128x64xf32>
    %dot_general3A = arith.constant dense<0.000000e+00> : vector<2048x64xf32>
    %dot_general3A_5 = tpu.matmul %get3A_1, %get3A_4, %dot_general3A {dimension_numbers = #tpu.dot_dimension_numbers<[1], [0], [0], [1], [0, 0, 1, 1], [], []>, transpose_lhs_hint = false} : vector<2048x128xf32>, vector<128x64xf32>, vector<2048x64xf32> -> vector<2048x64xf32>
    %swap3A = arith.constant 0 : index
    %swap3A_6 = arith.constant 0 : index
    %swap3A_7 = vector.load %arg3[%swap3A, %swap3A_6] : memref<2048x64xf32, #tpu.memory_space<vmem>>, vector<2048x64xf32>
    tpu.vector_store %arg3[%swap3A, %swap3A_6], %dot_general3A_5 {strides = array<i32>} : memref<2048x64xf32, #tpu.memory_space<vmem>>, vector<2048x64xf32>,
    return
  }
  func.func @transform_0(%arg0: i32) -> (i32, i32) {
    %c0_i32 = arith.constant 0 : i32
    %c0_i32_0 = arith.constant 0 : i32
    return %arg0, %c0_i32 : i32, i32
  }
  func.func @transform_1(%arg0: i32) -> (i32, i32) {
    %c0_i32 = arith.constant 0 : i32
    %c0_i32_0 = arith.constant 0 : i32
    %c0_i32_1 = arith.constant 0 : i32
    return %c0_i32, %c0_i32_0 : i32, i32
  }
  func.func @transform_2(%arg0: i32) -> (i32, i32) {
    %c0_i32 = arith.constant 0 : i32
    %c0_i32_0 = arith.constant 0 : i32
    return %arg0, %c0_i32 : i32, i32
  }
}

module attributes {stable_mosaic.version = 14 : i64} {
  func.func @_tc0_body(%arg0: i32, %arg1: memref<2048x64xf32, #tpu.memory_space<vmem>>, %arg2: memref<2x2048x8xf32, #tpu.memory_space<vmem>>, %arg3: memref<2048x64xf32, #tpu.memory_space<vmem>>, %arg4: memref<2048x2xf32, #tpu.memory_space<vmem>>) attributes {dimension_semantics = [#tpu.dimension_semantics<arbitrary>], iteration_bounds = array<i64: 5>, scalar_prefetch = 0 : i64, scratch_operands = 0 : i64, tpu.core_type = #tpu.core_type<tc>, window_params = [{transform_indices = @transform_0, window_bounds = array<i64: 2048, 64>}, {transform_indices = @transform_1, window_bounds = array<i64: 2, 2048, 8>}, {transform_indices = @transform_2, window_bounds = array<i64: 2048, 64>}, {transform_indices = @transform_3, window_bounds = array<i64: 2048, 2>}]} {
    %get3A = arith.constant 0 : index
    %get3A_0 = arith.constant 0 : index
    %get3A_1 = arith.constant 0 : index
    %get3A_2 = vector.load %arg2[%get3A, %get3A_0, %get3A_1] : memref<2x2048x8xf32, #tpu.memory_space<vmem>>, vector<2x2048x8xf32>
    %slice3A = vector.extract_strided_slice %get3A_2 {offsets = [0, 0, 0], sizes = [1, 2048, 1], strides = [1, 1, 1]} : vector<2x2048x8xf32> to vector<1x2048x1xf32>
    %squeeze3A = vector.shape_cast %slice3A : vector<1x2048x1xf32> to vector<2048xf32>
    %slice3A_3 = vector.extract_strided_slice %get3A_2 {offsets = [1, 0, 0], sizes = [1, 2048, 1], strides = [1, 1, 1]} : vector<2x2048x8xf32> to vector<1x2048x1xf32>
    %squeeze3A_4 = vector.shape_cast %slice3A_3 : vector<1x2048x1xf32> to vector<2048xf32>
    %add3A = arith.addf %squeeze3A, %squeeze3A_4 : vector<2048xf32>
    %slice3A_5 = vector.extract_strided_slice %get3A_2 {offsets = [0, 0, 4], sizes = [1, 2048, 1], strides = [1, 1, 1]} : vector<2x2048x8xf32> to vector<1x2048x1xf32>
    %squeeze3A_6 = vector.shape_cast %slice3A_5 : vector<1x2048x1xf32> to vector<2048xf32>
    %slice3A_7 = vector.extract_strided_slice %get3A_2 {offsets = [1, 0, 4], sizes = [1, 2048, 1], strides = [1, 1, 1]} : vector<2x2048x8xf32> to vector<1x2048x1xf32>
    %squeeze3A_8 = vector.shape_cast %slice3A_7 : vector<1x2048x1xf32> to vector<2048xf32>
    %add3A_9 = arith.addf %squeeze3A_6, %squeeze3A_8 : vector<2048xf32>
    %max3A = arith.constant 1.000000e+00 : f32
    %max3A_10 = vector.broadcast %max3A : f32 to vector<2048xf32>
    %max3A_11 = arith.maximumf %add3A, %max3A_10 : vector<2048xf32>
    %rsqrt3A = math.rsqrt %max3A_11 : vector<2048xf32>
    %broadcast_in_dim3A = vector.shape_cast %rsqrt3A : vector<2048xf32> to vector<2048x1xf32>
    %max3A_12 = arith.constant 1.000000e+00 : f32
    %max3A_13 = vector.broadcast %max3A_12 : f32 to vector<2048xf32>
    %max3A_14 = arith.maximumf %add3A_9, %max3A_13 : vector<2048xf32>
    %rsqrt3A_15 = math.rsqrt %max3A_14 : vector<2048xf32>
    %broadcast_in_dim3A_16 = vector.shape_cast %rsqrt3A_15 : vector<2048xf32> to vector<2048x1xf32>
    %concatenate3A = tpu.concatenate %broadcast_in_dim3A, %broadcast_in_dim3A_16 in 1 : vector<2048x1xf32>, vector<2048x1xf32> -> vector<2048x2xf32>
    %swap3A = arith.constant 0 : index
    %swap3A_17 = arith.constant 0 : index
    %swap3A_18 = vector.load %arg4[%swap3A, %swap3A_17] : memref<2048x2xf32, #tpu.memory_space<vmem>>, vector<2048x2xf32>
    tpu.vector_store %arg4[%swap3A, %swap3A_17], %concatenate3A {strides = array<i32>} : memref<2048x2xf32, #tpu.memory_space<vmem>>, vector<2048x2xf32>,
    %get3A_19 = arith.constant 0 : index
    %get3A_20 = arith.constant 0 : index
    %get3A_21 = vector.load %arg1[%get3A_19, %get3A_20] : memref<2048x64xf32, #tpu.memory_space<vmem>>, vector<2048x64xf32>
    %mul3A = vector.broadcast %broadcast_in_dim3A : vector<2048x1xf32> to vector<2048x64xf32>
    %mul3A_22 = arith.mulf %get3A_21, %mul3A : vector<2048x64xf32>
    %swap3A_23 = arith.constant 0 : index
    %swap3A_24 = arith.constant 0 : index
    %swap3A_25 = vector.load %arg3[%swap3A_23, %swap3A_24] : memref<2048x64xf32, #tpu.memory_space<vmem>>, vector<2048x64xf32>
    tpu.vector_store %arg3[%swap3A_23, %swap3A_24], %mul3A_22 {strides = array<i32>} : memref<2048x64xf32, #tpu.memory_space<vmem>>, vector<2048x64xf32>,
    return
  }
  func.func @transform_0(%arg0: i32) -> (i32, i32) {
    %c0_i32 = arith.constant 0 : i32
    %c0_i32_0 = arith.constant 0 : i32
    return %arg0, %c0_i32 : i32, i32
  }
  func.func @transform_1(%arg0: i32) -> (i32, i32, i32) {
    %c0_i32 = arith.constant 0 : i32
    %c0_i32_0 = arith.constant 0 : i32
    %c0_i32_1 = arith.constant 0 : i32
    return %c0_i32, %arg0, %c0_i32_0 : i32, i32, i32
  }
  func.func @transform_2(%arg0: i32) -> (i32, i32) {
    %c0_i32 = arith.constant 0 : i32
    %c0_i32_0 = arith.constant 0 : i32
    return %arg0, %c0_i32 : i32, i32
  }
  func.func @transform_3(%arg0: i32) -> (i32, i32) {
    %c0_i32 = arith.constant 0 : i32
    %c0_i32_0 = arith.constant 0 : i32
    return %arg0, %c0_i32 : i32, i32
  }
}

module attributes {stable_mosaic.version = 14 : i64} {
  func.func @_layer_body(%arg0: i32, %arg1: memref<2x2048x64xf32, #tpu.memory_space<vmem>>, %arg2: memref<64x64xf32, #tpu.memory_space<vmem>>, %arg3: memref<1x64xf32, #tpu.memory_space<vmem>>, %arg4: memref<2048x2xf32, #tpu.memory_space<vmem>>, %arg5: memref<2048x64xf32, #tpu.memory_space<vmem>>) attributes {dimension_semantics = [#tpu.dimension_semantics<arbitrary>], iteration_bounds = array<i64: 5>, scalar_prefetch = 0 : i64, scratch_operands = 0 : i64, tpu.core_type = #tpu.core_type<tc>, window_params = [{transform_indices = @transform_0, window_bounds = array<i64: 2, 2048, 64>}, {pipeline_mode = #tpu.pipeline_mode<synchronous>, transform_indices = @transform_1, window_bounds = array<i64: 64, 64>}, {pipeline_mode = #tpu.pipeline_mode<synchronous>, transform_indices = @transform_2, window_bounds = array<i64: 1, 64>}, {transform_indices = @transform_3, window_bounds = array<i64: 2048, 2>}, {transform_indices = @transform_4, window_bounds = array<i64: 2048, 64>}]} {
    %get3A = arith.constant 0 : index
    %get3A_0 = arith.constant 0 : index
    %get3A_1 = arith.constant 0 : index
    %get3A_2 = vector.load %arg1[%get3A, %get3A_0, %get3A_1] : memref<2x2048x64xf32, #tpu.memory_space<vmem>>, vector<1x2048x64xf32>
    %get3A_3 = vector.shape_cast %get3A_2 : vector<1x2048x64xf32> to vector<2048x64xf32>
    %get3A_4 = arith.constant 1 : index
    %get3A_5 = arith.constant 0 : index
    %get3A_6 = arith.constant 0 : index
    %get3A_7 = vector.load %arg1[%get3A_4, %get3A_5, %get3A_6] : memref<2x2048x64xf32, #tpu.memory_space<vmem>>, vector<1x2048x64xf32>
    %get3A_8 = vector.shape_cast %get3A_7 : vector<1x2048x64xf32> to vector<2048x64xf32>
    %add3A = arith.addf %get3A_3, %get3A_8 : vector<2048x64xf32>
    %get3A_9 = arith.constant 0 : index
    %get3A_10 = arith.constant 0 : index
    %get3A_11 = vector.load %arg2[%get3A_9, %get3A_10] : memref<64x64xf32, #tpu.memory_space<vmem>>, vector<64x64xf32>
    %dot_general3A = arith.constant dense<0.000000e+00> : vector<2048x64xf32>
    %dot_general3A_12 = tpu.matmul %add3A, %get3A_11, %dot_general3A {dimension_numbers = #tpu.dot_dimension_numbers<[1], [0], [0], [1], [0, 0, 1, 1], [], []>, transpose_lhs_hint = false} : vector<2048x64xf32>, vector<64x64xf32>, vector<2048x64xf32> -> vector<2048x64xf32>
    %get3A_13 = arith.constant 0 : index
    %get3A_14 = arith.constant 0 : index
    %get3A_15 = vector.load %arg4[%get3A_13, %get3A_14] : memref<2048x2xf32, #tpu.memory_space<vmem>>, vector<2048x2xf32>
    %slice3A = vector.extract_strided_slice %get3A_15 {offsets = [0, 1], sizes = [2048, 1], strides = [1, 1]} : vector<2048x2xf32> to vector<2048x1xf32>
    %mul3A = vector.broadcast %slice3A : vector<2048x1xf32> to vector<2048x64xf32>
    %mul3A_16 = arith.mulf %dot_general3A_12, %mul3A : vector<2048x64xf32>
    %get3A_17 = arith.constant 0 : index
    %get3A_18 = arith.constant 0 : index
    %get3A_19 = vector.load %arg3[%get3A_17, %get3A_18] : memref<1x64xf32, #tpu.memory_space<vmem>>, vector<1x64xf32>
    %add3A_20 = vector.broadcast %get3A_19 : vector<1x64xf32> to vector<2048x64xf32>
    %add3A_21 = arith.addf %mul3A_16, %add3A_20 : vector<2048x64xf32>
    %max3A = arith.constant 0.000000e+00 : f32
    %max3A_22 = vector.broadcast %max3A : f32 to vector<2048x64xf32>
    %max3A_23 = arith.maximumf %add3A_21, %max3A_22 : vector<2048x64xf32>
    %slice3A_24 = vector.extract_strided_slice %get3A_15 {offsets = [0, 0], sizes = [2048, 1], strides = [1, 1]} : vector<2048x2xf32> to vector<2048x1xf32>
    %mul3A_25 = vector.broadcast %slice3A_24 : vector<2048x1xf32> to vector<2048x64xf32>
    %mul3A_26 = arith.mulf %max3A_23, %mul3A_25 : vector<2048x64xf32>
    %swap3A = arith.constant 0 : index
    %swap3A_27 = arith.constant 0 : index
    %swap3A_28 = vector.load %arg5[%swap3A, %swap3A_27] : memref<2048x64xf32, #tpu.memory_space<vmem>>, vector<2048x64xf32>
    tpu.vector_store %arg5[%swap3A, %swap3A_27], %mul3A_26 {strides = array<i32>} : memref<2048x64xf32, #tpu.memory_space<vmem>>, vector<2048x64xf32>,
    return
  }
  func.func @transform_0(%arg0: i32) -> (i32, i32, i32) {
    %c0_i32 = arith.constant 0 : i32
    %c0_i32_0 = arith.constant 0 : i32
    %c0_i32_1 = arith.constant 0 : i32
    return %c0_i32, %arg0, %c0_i32_0 : i32, i32, i32
  }
  func.func @transform_1(%arg0: i32) -> (i32, i32) {
    %c0_i32 = arith.constant 0 : i32
    %c0_i32_0 = arith.constant 0 : i32
    %c0_i32_1 = arith.constant 0 : i32
    return %c0_i32, %c0_i32_0 : i32, i32
  }
  func.func @transform_2(%arg0: i32) -> (i32, i32) {
    %c0_i32 = arith.constant 0 : i32
    %c0_i32_0 = arith.constant 0 : i32
    %c0_i32_1 = arith.constant 0 : i32
    return %c0_i32, %c0_i32_0 : i32, i32
  }
  func.func @transform_3(%arg0: i32) -> (i32, i32) {
    %c0_i32 = arith.constant 0 : i32
    %c0_i32_0 = arith.constant 0 : i32
    return %arg0, %c0_i32 : i32, i32
  }
  func.func @transform_4(%arg0: i32) -> (i32, i32) {
    %c0_i32 = arith.constant 0 : i32
    %c0_i32_0 = arith.constant 0 : i32
    return %arg0, %c0_i32 : i32, i32
  }
}

module attributes {stable_mosaic.version = 14 : i64} {
  func.func @_head_body(%arg0: memref<10240x64xf32, #tpu.memory_space<vmem>>, %arg1: memref<10240x2xf32, #tpu.memory_space<vmem>>, %arg2: memref<64x32xf32, #tpu.memory_space<vmem>>, %arg3: memref<1x32xf32, #tpu.memory_space<vmem>>, %arg4: memref<32x10xf32, #tpu.memory_space<vmem>>, %arg5: memref<1x10xf32, #tpu.memory_space<vmem>>, %arg6: memref<1x10xf32, #tpu.memory_space<vmem>>) attributes {dimension_semantics = [], scalar_prefetch = 0 : i64, scratch_operands = 0 : i64, tpu.core_type = #tpu.core_type<tc>} {
    %iota3A = tpu.iota {dimensions = array<i32: 0>} : vector<10240x1xi32>
    %lt3A = arith.constant 10000 : i32
    %lt3A_0 = vector.broadcast %lt3A : i32 to vector<10240x1xi32>
    %lt3A_1 = arith.cmpi slt, %iota3A, %lt3A_0 : vector<10240x1xi32>
    %get3A = arith.constant 0 : index
    %get3A_2 = arith.constant 0 : index
    %get3A_3 = vector.load %arg0[%get3A, %get3A_2] : memref<10240x64xf32, #tpu.memory_space<vmem>>, vector<10240x64xf32>
    %get3A_4 = arith.constant 0 : index
    %get3A_5 = arith.constant 0 : index
    %get3A_6 = vector.load %arg1[%get3A_4, %get3A_5] : memref<10240x2xf32, #tpu.memory_space<vmem>>, vector<10240x1xf32>
    %div3A = vector.broadcast %get3A_6 : vector<10240x1xf32> to vector<10240x64xf32>
    %div3A_7 = arith.divf %get3A_3, %div3A : vector<10240x64xf32>
    %jit3A = arith.constant 0.000000e+00 : f32
    %broadcast_in_dim3A = vector.shape_cast %lt3A_1 : vector<10240x1xi1> to vector<10240x1xi1>
    %broadcast_in_dim3A_8 = vector.broadcast %broadcast_in_dim3A : vector<10240x1xi1> to vector<10240x64xi1>
    %broadcast_in_dim3A_9 = vector.broadcast %jit3A : f32 to vector<10240x64xf32>
    %select_n3A = arith.select %broadcast_in_dim3A_8, %div3A_7, %broadcast_in_dim3A_9 : vector<10240x64xi1>, vector<10240x64xf32>
    %reduce_sum3A = arith.constant dense<0.000000e+00> : vector<64xf32>
    %reduce_sum3A_10 = vector.multi_reduction <add>, %select_n3A, %reduce_sum3A [0] : vector<10240x64xf32> to vector<64xf32>
    %broadcast_in_dim3A_11 = vector.shape_cast %reduce_sum3A_10 : vector<64xf32> to vector<1x64xf32>
    %mul3A = arith.constant 9.99999974E-5 : f32
    %mul3A_12 = vector.broadcast %mul3A : f32 to vector<1x64xf32>
    %mul3A_13 = arith.mulf %broadcast_in_dim3A_11, %mul3A_12 : vector<1x64xf32>
    %get3A_14 = arith.constant 0 : index
    %get3A_15 = arith.constant 0 : index
    %get3A_16 = vector.load %arg2[%get3A_14, %get3A_15] : memref<64x32xf32, #tpu.memory_space<vmem>>, vector<64x32xf32>
    %dot_general3A = arith.constant dense<0.000000e+00> : vector<1x32xf32>
    %dot_general3A_17 = tpu.matmul %mul3A_13, %get3A_16, %dot_general3A {dimension_numbers = #tpu.dot_dimension_numbers<[1], [0], [0], [1], [0, 0, 1, 1], [], []>, transpose_lhs_hint = false} : vector<1x64xf32>, vector<64x32xf32>, vector<1x32xf32> -> vector<1x32xf32>
    %get3A_18 = arith.constant 0 : index
    %get3A_19 = arith.constant 0 : index
    %get3A_20 = vector.load %arg3[%get3A_18, %get3A_19] : memref<1x32xf32, #tpu.memory_space<vmem>>, vector<1x32xf32>
    %add3A = arith.addf %dot_general3A_17, %get3A_20 : vector<1x32xf32>
    %max3A = arith.constant 0.000000e+00 : f32
    %max3A_21 = vector.broadcast %max3A : f32 to vector<1x32xf32>
    %max3A_22 = arith.maximumf %add3A, %max3A_21 : vector<1x32xf32>
    %get3A_23 = arith.constant 0 : index
    %get3A_24 = arith.constant 0 : index
    %get3A_25 = vector.load %arg4[%get3A_23, %get3A_24] : memref<32x10xf32, #tpu.memory_space<vmem>>, vector<32x10xf32>
    %dot_general3A_26 = arith.constant dense<0.000000e+00> : vector<1x10xf32>
    %dot_general3A_27 = tpu.matmul %max3A_22, %get3A_25, %dot_general3A_26 {dimension_numbers = #tpu.dot_dimension_numbers<[1], [0], [0], [1], [0, 0, 1, 1], [], []>, transpose_lhs_hint = false} : vector<1x32xf32>, vector<32x10xf32>, vector<1x10xf32> -> vector<1x10xf32>
    %get3A_28 = arith.constant 0 : index
    %get3A_29 = arith.constant 0 : index
    %get3A_30 = vector.load %arg5[%get3A_28, %get3A_29] : memref<1x10xf32, #tpu.memory_space<vmem>>, vector<1x10xf32>
    %add3A_31 = arith.addf %dot_general3A_27, %get3A_30 : vector<1x10xf32>
    %swap3A = arith.constant 0 : index
    %swap3A_32 = arith.constant 0 : index
    %swap3A_33 = vector.load %arg6[%swap3A, %swap3A_32] : memref<1x10xf32, #tpu.memory_space<vmem>>, vector<1x10xf32>
    tpu.vector_store %arg6[%swap3A, %swap3A_32], %add3A_31 {strides = array<i32>} : memref<1x10xf32, #tpu.memory_space<vmem>>, vector<1x10xf32>,
    return
  }
}

</mosaic_0001>

<sc_bundles>
// kernel: closed_call.9.cloned.1.call-start
scs
__scs_entry_jumppad:
0x0: {  	(pc) =	sbr.rel $0x88, $3  }
0x1: {  	(tag) =	ssettag $0x0;
	lr =	simm.s32 $0x1  }
0x2: {  	[smem:$0x3F8F] =	sst lr;
	_ =	strace $0xD0000000  }
0x3: {  	_ = 	snop  }
0x4: {  	_ = 	snop  }
0x5: {  	_ = 	snop  }
0x6: {  	_ = 	snop  }
0x7: {  	_ = 	snop  }
__scs_overlays_trampoline_lowered:
0x8: {  	[smem:$0x3F9E] =	sst s0  }
0x9: {  	[smem:$0x3F9F] =	sst s1  }
0xa: {  	[smem:$0x3FA0] =	sst s2  }
0xb: {  	[smem:$0x3FA1] =	sst s3  }
0xc: {  	[smem:$0x3FA2] =	sst s4  }
0xd: {  	[smem:$0x3FA3] =	sst s5  }
0xe: {  	[smem:$0x3FA4] =	sst s6  }
0xf: {  	[smem:$0x3FA5] =	sst s7  }
0x10: {  	[smem:$0x3FA6] =	sst s8  }
0x11: {  	[smem:$0x3FA7] =	sst s9;
	s0 =	simm.s32 @!p0 $0x0  }
0x12: {  	s1 =	sld [smem:$0x3F8D];
	s0 =	simm.s32 @p0 $0x1  }
0x13: {  	[smem:$0x3FA8] =	sst s0;
	s0 =	simm.s32 @!p1 $0x0  }
0x14: {  	s2 =	sld [smem:$0x3F8C];
	s0 =	simm.s32 @p1 $0x1  }
0x15: {  	[smem:$0x3FA9] =	sst s0;
	s0 =	simm.s32 @!p2 $0x0  }
0x16: {  	s3 =	sld [smem:$0x3FDB];
	s0 =	simm.s32 @p2 $0x1  }
0x17: {  	s4 =	simm.s32 $0x1BF5;
	[smem:$0x3FAB] =	sst s0  }
0x18: {  	s0 =	sld [smem:$0x3F8E];
	_ =	swait.ge [sflag:s4], $0x0  }
0x19: {  	s7 =	sld [smem:$0x3F8F]  }
0x1a: {  	s8 =	sadd.s32 $0xFFFFE003, lr  }
0x1b: {  	s9 =	sadd.s32 $0xFFFFFEF7, lr;
	s5 =	simm.s32 $0xFFFFFFFF;
	p2 =	slt.u32 s8, $0xFFFFF086  }
0x1c: {  	p1 =	slt.u32 s9, $0xF7A;
	s5 =	simm.s32 @!p2 $0x0  }
0x1d: {  	s5 =	simm.s32 @p1 $0x1;
	p0 =	seq.s32 s7, s2  }
0x1e: {  	s7 =	smul.u32 @!p0 $0xF7A, s2;
	p2 =	seq.s32 @!p0 s5, $0x0  }
0x1f: {  	s9 =	smul.u32 $0xF7A, s1;
	s8 =	simm.s32 @!p0 $0x1BF5;
	p2 =	por !p2, p0  }
0x20: {  	[sflag:s8] =	ssyncset.s32 @!p0 $0xFFFFF086;
	s6 =	sadd.s32 @!p0 s3, s7;
	s7 =	simm.s32 @!p0 $0x108  }
0x21: {  	s3 =	sadd.s32 s3, s9;
	s6 =	sadd.s32 @!p0 $0x88, s6;
	s7 =	simm.s32 @p2 $0x1082  }
0x22: {  	[simem:s7], [sflag:s8] =	dma.local @!p0 [hbm:s6], $0xF7A  }
0x23: {  	s9 =	sor.u32 $0xD0000000, s2;
	s6 =	simm.s32 $0x108;
	_ =	swait.ge @!p0 [sflag:s8], $0x0  }
0x24: {  	s3 =	sadd.s32 $0x88, s3;
	s6 =	simm.s32 @!p1 $0x1082;
	[sflag:s4] =	ssyncset.s32 $0xFFFFF086  }
0x25: {  	[simem:s6], [sflag:s4] =	dma.local [hbm:s3], $0xF7A  }
0x26: {  	[smem:$0x3F8F] =	sst s1;
	(tag) =	ssettag s2;
	_ =	strace s9  }
0x27: {  	s1 =	sld [smem:$0x3F9F]  }
0x28: {  	s2 =	sld [smem:$0x3FA0]  }
0x29: {  	s4 =	sld [smem:$0x3FA2]  }
0x2a: {  	p0 =	seq.s32 s5, $0x0;
	s5 =	sld [smem:$0x3FA3]  }
0x2b: {  	s6 =	sld [smem:$0x3FA4]  }
0x2c: {  	s7 =	sld [smem:$0x3FA5]  }
0x2d: {  	s3 =	simm.s32 $0x108;
	s8 =	sld [smem:$0x3FA6]  }
0x2e: {  	s3 =	simm.s32 @!p0 $0x1082;
	s9 =	sld [smem:$0x3FA7]  }
0x2f: {  	lr =	sadd.s32 s0, s3;
	s0 =	sld [smem:$0x3F9E]  }
0x30: {  	s3 =	sld [smem:$0x3FA1]  }
0x31: {  	[smem:$0x3FAA] =	sst s10  }
0x32: {  	s10 =	sld [smem:$0x3FA8];
	_ =	sdelay $0x3  }
0x33: {  	p0 =	seq.s32 s10, $0x1;
	s10 =	sld [smem:$0x3FAA];
	_ =	sdelay $0x3  }
0x34: {  	[smem:$0x3FAA] =	sst s10  }
0x35: {  	s10 =	sld [smem:$0x3FA9];
	_ =	sdelay $0x3  }
0x36: {  	p1 =	seq.s32 s10, $0x1;
	s10 =	sld [smem:$0x3FAA];
	_ =	sdelay $0x3  }
0x37: {  	[smem:$0x3FAA] =	sst s10  }
0x38: {  	s10 =	sld [smem:$0x3FAB]  }
0x39: {  	_ = 	snop;
	(pc) =	sbr.ind lr, $3  }
0x3a: {  	_ = 	snop  }
0x3b: {  	_ = 	snop  }
0x3c: {  	p2 =	seq.s32 s10, $0x1;
	s10 =	sld [smem:$0x3FAA]  }
0x3d: {  	_ =	shalt  }
0x3e: {  	_ =	shalt  }
0x3f: {  	_ =	shalt  }
0x40: {  	_ =	shalt  }
0x41: {  	_ =	shalt  }
0x42: {  	_ =	shalt  }
0x43: {  	_ =	shalt  }
0x44: {  	_ =	shalt  }
0x45: {  	_ =	shalt  }
0x46: {  	_ =	shalt  }
0x47: {  	_ =	shalt  }
0x48: {  	_ =	shalt  }
0x49: {  	_ =	shalt  }
0x4a: {  	_ =	shalt  }
0x4b: {  	_ =	shalt  }
0x4c: {  	_ =	shalt  }
0x4d: {  	_ =	shalt  }
0x4e: {  	_ =	shalt  }
0x4f: {  	_ =	shalt  }
0x50: {  	_ =	shalt  }
0x51: {  	_ =	shalt  }
0x52: {  	_ =	shalt  }
0x53: {  	_ =	shalt  }
0x54: {  	_ =	shalt  }
0x55: {  	_ =	shalt  }
0x56: {  	_ =	shalt  }
0x57: {  	_ =	shalt  }
0x58: {  	_ =	shalt  }
0x59: {  	_ =	shalt  }
0x5a: {  	_ =	shalt  }
0x5b: {  	_ =	shalt  }
0x5c: {  	_ =	shalt  }
0x5d: {  	_ =	shalt  }
0x5e: {  	_ =	shalt  }
0x5f: {  	_ =	shalt  }
0x60: {  	_ =	shalt  }
0x61: {  	_ =	shalt  }
0x62: {  	_ =	shalt  }
0x63: {  	_ =	shalt  }
0x64: {  	_ =	shalt  }
0x65: {  	_ =	shalt  }
0x66: {  	_ =	shalt  }
0x67: {  	_ =	shalt  }
0x68: {  	_ =	shalt  }
0x69: {  	_ =	shalt  }
0x6a: {  	_ =	shalt  }
0x6b: {  	_ =	shalt  }
0x6c: {  	_ =	shalt  }
0x6d: {  	_ =	shalt  }
0x6e: {  	_ =	shalt  }
0x6f: {  	_ =	shalt  }
0x70: {  	_ =	shalt  }
0x71: {  	_ =	shalt  }
0x72: {  	_ =	shalt  }
0x73: {  	_ =	shalt  }
0x74: {  	_ =	shalt  }
0x75: {  	_ =	shalt  }
0x76: {  	_ =	shalt  }
0x77: {  	_ =	shalt  }
0x78: {  	_ =	shalt  }
0x79: {  	_ =	shalt  }
0x7a: {  	_ =	shalt  }
0x7b: {  	_ =	shalt  }
0x7c: {  	_ =	shalt  }
0x7d: {  	_ =	shalt  }
0x7e: {  	_ =	shalt  }
0x7f: {  	_ =	shalt  }
0x80: {  	_ =	shalt  }
0x81: {  	_ =	shalt  }
0x82: {  	_ =	shalt  }
0x83: {  	_ =	shalt  }
0x84: {  	_ =	shalt  }
0x85: {  	_ =	shalt  }
0x86: {  	_ =	shalt  }
0x87: {  	_ =	shalt  }
.Lfunc_end0:
.L_simem_size_0:
called_computation_lowered:
.L_overlay_start_0:
0x88: {  	s2 =	sld [smem:$0x3FD9]  }
0x89: {  	s3 =	sld [smem:$0x3FFE];
	_ =	sdelay $0x1  }
0x8a: {  	s1 =	srdreg.scid  }
0x8b: {  	s0 =	sand.u32 $0x1, s1  }
0x8c: {  	s16 =	sshll.u32 s0, $0xA;
	s2 =	sadd.s32 s3, s2  }
0x8d: {  	s2 =	sadd.s32 s2, s16  }
0x8e: {  	[smem:$0x3FB6] =	sst s2  }
0x8f: {  	_ = 	snop  }
0x90: {  	(tm) =	ssettm $0x1  }
0x91: {  	s17 =	sld [smem:$0x3FFB];
	_ =	sdelay $0x3  }
0x92: {  	_ =	strace s17  }
0x93: {  	s2 =	sld [smem:$0x3FFC];
	_ =	sdelay $0x3  }
0x94: {  	_ =	strace s2  }
0x95: {  	s2 =	sld [smem:$0x3FFD];
	_ =	sdelay $0x3  }
0x96: {  	_ =	strace s2  }
0x97: {  	_ =	strace $0x8FFFFFFF  }
0x98: {  	s18 =	sld [smem:$0x3FDB];
	_ =	sdelay $0x1  }
0x99: {  	s19 =	simm.s32 $_scs_section_size  }
0x9a: {  	s4 =	simm.s32 $_size__tile_overlayer_lowered;
	s5 =	simm.s32 $_tile_overlayer_lowered  }
0x9b: {  	s22 =	simm.s32 $0x1BFF;
	s21 =	sshll.u32 s5, $0x1;
	s2 =	sadd.s32 s19, s18  }
0x9c: {  	s6 =	simm.s32 $0x0;
	s20 =	sshll.u32 s4, $0x1;
	s4 =	sadd.s32 s21, s2  }
0x9d: {  	[timem:s6], [sflag:s22] =	dma.local [hbm:s4], s20  }
0x9e: {  	_ =	swait.ge [sflag:s22], s20  }
0x9f: {  	s3 =	ssub.s32 $0x0, s20;
	[sflag:s22] =	ssyncset.done $0x0  }
0xa0: {  	[sflag:s22] =	ssyncadd.s32 s3;
	_ =	sdelay $0x1  }
0xa1: {  	s23 =	simm.s32 $0x1B8B  }
0xa2: {  	_ =	swait.ge [sflag:s23], $0x1  }
0xa3: {  	[sflag:s23] =	ssyncset.done $0x0  }
0xa4: {  	s25 =	simm.s32 $0x1B8E;
	s24 =	sld [smem:$0x3FFE];
	[sflag:s23] =	ssyncadd.s32 $0xFFFFFFFF  }
0xa5: {  	s26 =	simm.s32 $execute0_lowered;
	[smem:$0x3FD2] =	sst s25  }
0xa6: {  	s4 =	sshll.u32 s26, $0x1;
	_ =	strace $0x80000049;
	[dreg:$0x1] =	wrdreg $0xFFFFFFFF  }
0xa7: {  	s28 =	simm.s32 $_size_execute0_lowered;
	s2 =	sadd.s32 s2, s4;
	[dreg:$0x0] =	wrdreg $0x0  }
0xa8: {  	s4 =	sshll.u32 s28, $0x1;
	[dreg:$0x2] =	wrdreg s2  }
0xa9: {  	[dreg:$0x3] =	wrdreg s4  }
0xaa: {  	[dreg:$0x4] =	wrdreg $0xC0  }
0xab: {  	_ =	task [dreg:s6], $0x5FFFF  }
0xac: {  	[dreg:$0x1] =	wrdreg $0xFFFFFFFF  }
0xad: {  	[dreg:$0x0] =	wrdreg $0x60  }
0xae: {  	[dreg:$0x2] =	wrdreg s24  }
0xaf: {  	[dreg:$0x3] =	wrdreg $0x150000  }
0xb0: {  	[dreg:$0x4] =	wrdreg $0x9  }
0xb1: {  	_ =	task.clear_ibuf [dreg:s6], $0x5FFFF;
	_ =	strace $0x90000049  }
0xb2: {  	s29 =	simm.s32 $0x9;
	_ =	strace $0x8000004B  }
0xb3: {  	_ =	swait.ge [sflag:s29], $0x1  }
0xb4: {  	[sflag:s29] =	ssyncadd.s32 $0xFFFFFFFF  }
0xb5: {  	_ =	strace $0x9000004B  }
0xb6: {  	_ =	sfence  }
0xb7: {  	s30 =	sld [smem:$0x0];
	_ =	sdelay $0x2  }
0xb8: {  	s31 =	sshll.u32 s1, $0xD;
	s1 =	sshrl.u32 s1, $0x2  }
0xb9: {  	s3 =	sand.u32 $0x4000, s31;
	s1 =	sadd.s32 s1, s30  }
0xba: {  	s0 =	sor.u32 s3, s0;
	s1 =	sshll.u32 s1, $0x11  }
0xbb: {  	s0 =	sor.u32 s1, s0  }
0xbc: {  	s0 =	sadd.s32 $0x8F2B, s0  }
0xbd: {  	[sflag:s0] =	ssyncadd.remote.s32 $0x1  }
0xbe: {  	_ =	sfence.sel $0xFFFF  }
0xbf: {  	[dreg:$0x0] =	wrdreg $0xFFFFFFFF;
	(pc) =	sbr.abs _section_cstart, $3  }
0xc0: {  	[dreg:$0x1] =	wrdreg $0xFFFFFFFF  }
0xc1: {  	_ =	task.clear_ibuf [dreg:s6], $0x2FFFF;
	_ =	strace $0x9FFFFFFF  }
0xc2: {  	(tm) =	ssettm $0x7FFFFFFF  }
0xc3: {  	_ =	shalt  }
tec
execute0_lowered:
.L_overlay_start_1:
0x0: {  	(tag) =	ssettag $0x1  }
0x1: {  	s0 =	rddreg [dreg:$0x0]  }
0x2: {  	s2 =	rddreg [dreg:$0x1]  }
0x3: {  	s1 =	srdreg.scid;
	s7 =	stileid.u32  }
0x4: {  	s4 =	simm.s32 $0x0;
	s15 =	simm.s32 $0x5000;
	s16 =	simm.s32 $0x1  }
0x5: {  	s17 =	simm.s32 $0x2;
	s18 =	simm.s32 $0x9;
	s28 =	simm.s32 $0x11000  }
0x6: {  	s29 =	simm.s32 $0x13000;
	s30 =	simm.s32 $0x5;
	s31 =	simm.s32 $0x6  }
0x7: {  	s14 =	simm.s32 $0x8;
	s8 =	simm.s32 $0xE;
	s9 =	simm.s32 $0xF  }
0x8: {  	s10 =	simm.s32 $0x10;
	s11 =	simm.s32 $0x11;
	s1 =	sand.u32 $0x1, s1  }
0x9: {  	s12 =	simm.s32 $0x0;
	s5 =	smul.u32 $0xA000, s7;
	s3 =	sshll.u32 s1, $0x4  }
0xa: {  	s6 =	smul.u32 $0xA0000, s1;
	s1 =	ssub.s32 $0x2, s1;
	s3 =	sor.u32 s7, s3  }
0xb: {  	[smem:$0x7FF] =	sst s4;
	s19 =	sshrl.u32 s1, $0x1;
	s3 =	smul.u32 $0x500, s3  }
0xc: {  	s4 =	sadd.s32 $0x17000, s0;
	s7 =	smul.u32 $0x28000, s7;
	s1 =	ssub.s32 s1, s19  }
0xd: {  	_ =	strace $0x8000004A;
	s26 =	smax.u32 s1, $0x1;
	s3 =	sadd.s32 s3, s0  }
0xe: {  	s7 =	sshrl.u32 s7, $0x2;
	[dreg:$0xa] =	wrdreg s26;
	s20 =	sadd.s32 $0xD000, s3  }
0xf: {  	s21 =	sadd.s32 s7, s2;
	s3 =	sadd.s32 $0x3000, s3;
	[dreg:$0x3] =	wrdreg s20  }
0x10: {  	s6 =	sadd.s32 s5, s6;
	s22 =	sadd.s32 $0x2000, s21;
	[dreg:$0x4] =	wrdreg s3  }
0x11: {  	s19 =	simm.s32 $0x80;
	s23 =	sadd.s32 $0x4000, s21;
	[dreg:$0x5] =	wrdreg s22  }
0x12: {  	s6 =	sshrl.u32 s6, $0x3;
	s24 =	sadd.s32 $0x6000, s21;
	[dreg:$0x6] =	wrdreg s23  }
0x13: {  	s0 =	sadd.s32 s6, s0;
	s25 =	sadd.s32 $0x8000, s21;
	[dreg:$0x7] =	wrdreg s24  }
0x14: {  	s7 =	sadd.s32 s5, s2;
	s0 =	sadd.s32 $0x2B000, s0;
	[dreg:$0x8] =	wrdreg s25  }
0x15: {  	s26 =	simm.s32 $0xF000;
	s21 =	simm.s32 $0x9000;
	[dreg:$0x9] =	wrdreg s0  }
0x16: {  	s20 =	simm.s32 $0x7000;
	s22 =	simm.s32 $0xB000;
	s23 =	simm.s32 $0x3  }
0x17: {  	v0 =	vimm.f32 $0.0e+00;
	s24 =	simm.s32 $0x4;
	s25 =	simm.s32 $0xD000;
	s0 =	simm.s32 $0x7  }
.LBB2_1:
0x18: {  	s1 =	simm.s32 $0x0;
	s3 =	rddreg [dreg:$0x3]  }
0x19: {  	[tilespmem:s1], [sflag:$0x1] =	stream.linear.gather [hbm4b:s3+s1], $0x2800, $0x38;
	[tilespmem:$0x1F000] =	vst v63  }
0x1a: {  	s13 =	rddreg [dreg:$0x4];
	s5 =	simm.s32 $0x2800  }
0x1b: {  	[tilespmem:s5], [sflag:$0x2] =	stream.linear.gather [hbm4b:s13+s1], $0x2800, $0x38;
	[tilespmem:$0x1F000] =	vst v63  }
0x1c: {  	s3 =	simm.s32 $0x100;
	s1 =	simm.s32 $0x0  }
.LBB2_2:
0x1d: {  	p0 =	sne.s32 s3, $0x7F00;
	[tilespmem:s1+$0x5030] =	vst v0;
	s13 =	smov.u32 s3;
	s3 =	sadd.s32 $0x100, s3  }
.Ltmp0:
0x1e: {  	[tilespmem:s1+$0x5020] =	vst v0;
	(pc) =	sbr.rel @p0 .LBB2_2-.Ltmp0, $3  }
0x1f: {  	[tilespmem:s1+$0x5000] =	vst v0  }
0x20: {  	[tilespmem:s1+$0x5010] =	vst v0;
	_ =	sdelay $0x1  }
0x21: {  	s1 =	sshra.s32 s13, $0x2  }
0x22: {  	[tilespmem:s1+$0x5030] =	vst v0  }
0x23: {  	[tilespmem:s1+$0x5020] =	vst v0  }
0x24: {  	[tilespmem:s1+$0x5000] =	vst v0  }
0x25: {  	[tilespmem:s1+$0x5010] =	vst v0  }
0x26: {  	[spmem:s7] =	stream.linear.scatter [tilespmem:s15], [sflag:$0x9], $0x2000, $0x38;
	[tilespmem:$0x1F000] =	vst v63  }
0x27: {  	s3 =	rddreg [dreg:$0x5]  }
0x28: {  	[spmem:s3] =	stream.linear.scatter [tilespmem:s15], [sflag:$0x9], $0x2000, $0x38;
	[tilespmem:$0x1F000] =	vst v63  }
0x29: {  	s5 =	rddreg [dreg:$0x6]  }
0x2a: {  	[spmem:s5] =	stream.linear.scatter [tilespmem:s15], [sflag:$0x9], $0x2000, $0x38;
	[tilespmem:$0x1F000] =	vst v63  }
0x2b: {  	s6 =	rddreg [dreg:$0x7]  }
0x2c: {  	[spmem:s6] =	stream.linear.scatter [tilespmem:s15], [sflag:$0x9], $0x2000, $0x38;
	[tilespmem:$0x1F000] =	vst v63  }
0x2d: {  	s13 =	rddreg [dreg:$0x8]  }
0x2e: {  	[spmem:s13] =	stream.linear.scatter [tilespmem:s15], [sflag:$0x9], $0x2000, $0x38;
	[tilespmem:$0x1F000] =	vst v63  }
0x2f: {  	_ =	swait.ge [sflag:s16], $0x2800  }
0x30: {  	[sflag:s16] =	ssyncset.done $0x0  }
0x31: {  	[sflag:s16] =	ssyncadd.s32 $0xFFFFD800  }
0x32: {  	_ =	swait.ge [sflag:s17], $0x2800  }
0x33: {  	[sflag:s17] =	ssyncset.done $0x0  }
0x34: {  	[sflag:s17] =	ssyncadd.s32 $0xFFFFD800  }
0x35: {  	_ =	swait.ge [sflag:s18], $0x2000  }
0x36: {  	[sflag:s18] =	ssyncset.done $0x0  }
0x37: {  	[sflag:s18] =	ssyncadd.s32 $0xFFFFE000  }
0x38: {  	_ =	swait.ge [sflag:s18], $0x2000  }
0x39: {  	[sflag:s18] =	ssyncset.done $0x0  }
0x3a: {  	[sflag:s18] =	ssyncadd.s32 $0xFFFFE000  }
0x3b: {  	_ =	swait.ge [sflag:s18], $0x2000  }
0x3c: {  	[sflag:s18] =	ssyncset.done $0x0  }
0x3d: {  	[sflag:s18] =	ssyncadd.s32 $0xFFFFE000  }
0x3e: {  	_ =	swait.ge [sflag:s18], $0x2000  }
0x3f: {  	[sflag:s18] =	ssyncset.done $0x0  }
0x40: {  	[sflag:s18] =	ssyncadd.s32 $0xFFFFE000  }
0x41: {  	_ =	swait.ge [sflag:s18], $0x2000  }
0x42: {  	[sflag:s18] =	ssyncset.done $0x0  }
0x43: {  	p0 =	por $0x1, $0x1;
	[sflag:s18] =	ssyncadd.s32 $0xFFFFE000  }
0x44: {  	s1 =	simm.s32 @!p0 $0x9;
	[bflag:$0x0] =	sbarrier.arrive $0xFFFF  }
0x45: {  	_ =	swait.ge @!p0 [sflag:s1], $0x2000  }
0x46: {  	[sflag:s1] =	ssyncset.done @!p0 $0x0  }
0x47: {  	[sflag:s1] =	ssyncadd.s32 @!p0 $0xFFFFE000;
	s1 =	simm.s32 @!p0 $0xA  }
0x48: {  	_ =	swait.ge @!p0 [sflag:s1], $0x2000  }
0x49: {  	[sflag:s1] =	ssyncset.done @!p0 $0x0  }
0x4a: {  	[sflag:s1] =	ssyncadd.s32 @!p0 $0xFFFFE000;
	s1 =	simm.s32 @!p0 $0xB  }
0x4b: {  	_ =	swait.ge @!p0 [sflag:s1], $0x2000  }
0x4c: {  	[sflag:s1] =	ssyncset.done @!p0 $0x0  }
0x4d: {  	[sflag:s1] =	ssyncadd.s32 @!p0 $0xFFFFE000;
	s1 =	simm.s32 @!p0 $0xC  }
0x4e: {  	_ =	swait.ge @!p0 [sflag:s1], $0x2000  }
0x4f: {  	[sflag:s1] =	ssyncset.done @!p0 $0x0  }
0x50: {  	s3 =	simm.s32 $0x0;
	[sflag:s1] =	ssyncadd.s32 @!p0 $0xFFFFE000  }
0x51: {  	[tilespmem:s15], [sflag:$0x1] =	stream.indirect.gather [hbm4b:s4+s19], $0x40, s3, s19, $0xb8;
	[tilespmem:$0x1F000] =	vst v63  }
0x52: {  	s5 =	simm.s32 $0x80  }
0x53: {  	[tilespmem:s20], [sflag:$0x2] =	stream.indirect.gather [hbm4b:s4+s19], $0x40, s5, s19, $0xb8;
	[tilespmem:$0x1F000] =	vst v63  }
0x54: {  	s6 =	simm.s32 $0x100  }
0x55: {  	[tilespmem:s21], [sflag:$0x3] =	stream.indirect.gather [hbm4b:s4+s19], $0x40, s6, s19, $0xb8;
	[tilespmem:$0x1F000] =	vst v63  }
0x56: {  	s13 =	simm.s32 $0x180  }
0x57: {  	[tilespmem:s22], [sflag:$0x4] =	stream.indirect.gather [hbm4b:s4+s19], $0x40, s13, s19, $0xb8;
	[tilespmem:$0x1F000] =	vst v63  }
0x58: {  	_ =	swait.ge [sflag:s16], $0x2000  }
0x59: {  	[sflag:s16] =	ssyncset.done $0x0  }
0x5a: {  	s3 =	simm.s32 $0x2800;
	[sflag:s16] =	ssyncadd.s32 $0xFFFFE000  }
0x5b: {  	[spmem:s2] =	stream.indirect.scatter.add.f32 [tilespmem:s15], [sflag:$0x9], $0x40, s3, s19, $0xb8;
	[tilespmem:$0x1F000] =	vst v63  }
0x5c: {  	_ =	swait.ge [sflag:s17], $0x2000  }
0x5d: {  	[sflag:s17] =	ssyncset.done $0x0  }
0x5e: {  	s5 =	simm.s32 $0x2880;
	[sflag:s17] =	ssyncadd.s32 $0xFFFFE000  }
0x5f: {  	[spmem:s2] =	stream.indirect.scatter.add.f32 [tilespmem:s20], [sflag:$0xA], $0x40, s5, s19, $0xb8;
	[tilespmem:$0x1F000] =	vst v63  }
0x60: {  	_ =	swait.ge [sflag:s23], $0x2000  }
0x61: {  	[sflag:s23] =	ssyncset.done $0x0  }
0x62: {  	s6 =	simm.s32 $0x2900;
	[sflag:s23] =	ssyncadd.s32 $0xFFFFE000  }
0x63: {  	[spmem:s2] =	stream.indirect.scatter.add.f32 [tilespmem:s21], [sflag:$0xB], $0x40, s6, s19, $0xb8;
	[tilespmem:$0x1F000] =	vst v63  }
0x64: {  	_ =	swait.ge [sflag:s24], $0x2000  }
0x65: {  	[sflag:s24] =	ssyncset.done $0x0  }
0x66: {  	s13 =	simm.s32 $0x2980;
	s3 =	simm.s32 @!p0 $0xD;
	[sflag:s24] =	ssyncadd.s32 $0xFFFFE000  }
0x67: {  	[spmem:s2] =	stream.indirect.scatter.add.f32 [tilespmem:s22], [sflag:$0xC], $0x40, s13, s19, $0xb8;
	[tilespmem:$0x1F000] =	vst v63  }
0x68: {  	_ =	swait.ge @!p0 [sflag:s3], $0x2000  }
0x69: {  	[sflag:s3] =	ssyncset.done @!p0 $0x0  }
0x6a: {  	s1 =	simm.s32 @!p0 $0xE;
	[sflag:s3] =	ssyncadd.s32 @!p0 $0xFFFFE000  }
0x6b: {  	_ =	swait.ge @!p0 [sflag:s1], $0x2000  }
0x6c: {  	[sflag:s1] =	ssyncset.done @!p0 $0x0  }
0x6d: {  	[sflag:s1] =	ssyncadd.s32 @!p0 $0xFFFFE000;
	s1 =	simm.s32 @!p0 $0xF  }
0x6e: {  	_ =	swait.ge @!p0 [sflag:s1], $0x2000  }
0x6f: {  	[sflag:s1] =	ssyncset.done @!p0 $0x0  }
0x70: {  	[sflag:s1] =	ssyncadd.s32 @!p0 $0xFFFFE000;
	s1 =	simm.s32 @!p0 $0x10  }
0x71: {  	_ =	swait.ge @!p0 [sflag:s1], $0x2000  }
0x72: {  	[sflag:s1] =	ssyncset.done @!p0 $0x0  }
0x73: {  	s5 =	simm.s32 $0x200;
	[sflag:s1] =	ssyncadd.s32 @!p0 $0xFFFFE000  }
0x74: {  	[tilespmem:s25], [sflag:$0x5] =	stream.indirect.gather [hbm4b:s4+s19], $0x40, s5, s19, $0xb8;
	[tilespmem:$0x1F000] =	vst v63  }
0x75: {  	s6 =	simm.s32 $0x280  }
0x76: {  	[tilespmem:s26], [sflag:$0x6] =	stream.indirect.gather [hbm4b:s4+s19], $0x40, s6, s19, $0xb8;
	[tilespmem:$0x1F000] =	vst v63  }
0x77: {  	s13 =	simm.s32 $0x300  }
0x78: {  	[tilespmem:s28], [sflag:$0x7] =	stream.indirect.gather [hbm4b:s4+s19], $0x40, s13, s19, $0xb8;
	[tilespmem:$0x1F000] =	vst v63  }
0x79: {  	s3 =	simm.s32 $0x380  }
0x7a: {  	[tilespmem:s29], [sflag:$0x8] =	stream.indirect.gather [hbm4b:s4+s19], $0x40, s3, s19, $0xb8;
	[tilespmem:$0x1F000] =	vst v63  }
0x7b: {  	_ =	swait.ge [sflag:s30], $0x2000  }
0x7c: {  	[sflag:s30] =	ssyncset.done $0x0  }
0x7d: {  	s5 =	simm.s32 $0x2A00;
	[sflag:s30] =	ssyncadd.s32 $0xFFFFE000  }
0x7e: {  	[spmem:s2] =	stream.indirect.scatter.add.f32 [tilespmem:s25], [sflag:$0xD], $0x40, s5, s19, $0xb8;
	[tilespmem:$0x1F000] =	vst v63  }
0x7f: {  	_ =	swait.ge [sflag:s31], $0x2000  }
0x80: {  	[sflag:s31] =	ssyncset.done $0x0  }
0x81: {  	s6 =	simm.s32 $0x2A80;
	[sflag:s31] =	ssyncadd.s32 $0xFFFFE000  }
0x82: {  	[spmem:s2] =	stream.indirect.scatter.add.f32 [tilespmem:s26], [sflag:$0xE], $0x40, s6, s19, $0xb8;
	[tilespmem:$0x1F000] =	vst v63  }
0x83: {  	_ =	swait.ge [sflag:s0], $0x2000  }
0x84: {  	[sflag:s0] =	ssyncset.done $0x0  }
0x85: {  	s13 =	simm.s32 $0x2B00;
	[sflag:s0] =	ssyncadd.s32 $0xFFFFE000  }
0x86: {  	[spmem:s2] =	stream.indirect.scatter.add.f32 [tilespmem:s28], [sflag:$0xF], $0x40, s13, s19, $0xb8;
	[tilespmem:$0x1F000] =	vst v63  }
0x87: {  	s1 =	simm.s32 $0x2000;
	p0 =	por $0x0, $0x0;
	_ =	swait.ge [sflag:s14], $0x2000  }
0x88: {  	s3 =	simm.s32 $0x2B80;
	s13 =	simm.s32 $0x1000;
	[sflag:s14] =	ssyncset.done $0x0  }
.LBB2_4:
0x89: {  	s5 =	simm.s32 @!p0 $0x9  }
0x8a: {  	[sflag:s14] =	ssyncadd.s32 $0xFFFFE000;
	s6 =	smov.u32 s1;
	s1 =	sadd.s32 $0x1000, s1  }
0x8b: {  	[spmem:s2] =	stream.indirect.scatter.add.f32 [tilespmem:s29], [sflag:$0x10], $0x40, s3, s19, $0xb8;
	[tilespmem:$0x1F000] =	vst v63  }
0x8c: {  	p1 =	sne.s32 s1, $0xA000;
	_ =	swait.ge @!p0 [sflag:s5], $0x2000  }
0x8d: {  	[sflag:s5] =	ssyncset.done @!p0 $0x0  }
0x8e: {  	s3 =	simm.s32 @!p0 $0xA;
	[sflag:s5] =	ssyncadd.s32 @!p0 $0xFFFFE000  }
0x8f: {  	_ =	swait.ge @!p0 [sflag:s3], $0x2000  }
0x90: {  	[sflag:s3] =	ssyncset.done @!p0 $0x0  }
0x91: {  	[sflag:s3] =	ssyncadd.s32 @!p0 $0xFFFFE000;
	s3 =	simm.s32 @!p0 $0xB  }
0x92: {  	_ =	swait.ge @!p0 [sflag:s3], $0x2000  }
0x93: {  	[sflag:s3] =	ssyncset.done @!p0 $0x0  }
0x94: {  	[sflag:s3] =	ssyncadd.s32 @!p0 $0xFFFFE000;
	s3 =	simm.s32 @!p0 $0xC  }
0x95: {  	_ =	swait.ge @!p0 [sflag:s3], $0x2000  }
0x96: {  	[sflag:s3] =	ssyncset.done @!p0 $0x0  }
0x97: {  	[sflag:s3] =	ssyncadd.s32 @!p0 $0xFFFFE000;
	s3 =	sshra.s32 s13, $0x2;
	s13 =	smov.u32 s6  }
0x98: {  	[tilespmem:s15], [sflag:$0x1] =	stream.indirect.gather [hbm4b:s4+s19], $0x40, s3, s19, $0xb8;
	[tilespmem:$0x1F000] =	vst v63  }
0x99: {  	s5 =	sadd.s32 $0x80, s3  }
0x9a: {  	[tilespmem:s20], [sflag:$0x2] =	stream.indirect.gather [hbm4b:s4+s19], $0x40, s5, s19, $0xb8;
	[tilespmem:$0x1F000] =	vst v63  }
0x9b: {  	s5 =	sadd.s32 $0x100, s3  }
0x9c: {  	[tilespmem:s21], [sflag:$0x3] =	stream.indirect.gather [hbm4b:s4+s19], $0x40, s5, s19, $0xb8;
	[tilespmem:$0x1F000] =	vst v63  }
0x9d: {  	s5 =	sadd.s32 $0x180, s3  }
0x9e: {  	[tilespmem:s22], [sflag:$0x4] =	stream.indirect.gather [hbm4b:s4+s19], $0x40, s5, s19, $0xb8;
	[tilespmem:$0x1F000] =	vst v63  }
0x9f: {  	_ =	swait.ge [sflag:s16], $0x2000  }
0xa0: {  	[sflag:s16] =	ssyncset.done $0x0  }
0xa1: {  	s5 =	sadd.s32 $0x2800, s3;
	[sflag:s16] =	ssyncadd.s32 $0xFFFFE000  }
0xa2: {  	[spmem:s2] =	stream.indirect.scatter.add.f32 [tilespmem:s15], [sflag:$0x9], $0x40, s5, s19, $0xb8;
	[tilespmem:$0x1F000] =	vst v63  }
0xa3: {  	_ =	swait.ge [sflag:s17], $0x2000  }
0xa4: {  	[sflag:s17] =	ssyncset.done $0x0  }
0xa5: {  	s5 =	sadd.s32 $0x2880, s3;
	[sflag:s17] =	ssyncadd.s32 $0xFFFFE000  }
0xa6: {  	[spmem:s2] =	stream.indirect.scatter.add.f32 [tilespmem:s20], [sflag:$0xA], $0x40, s5, s19, $0xb8;
	[tilespmem:$0x1F000] =	vst v63  }
0xa7: {  	_ =	swait.ge [sflag:s23], $0x2000  }
0xa8: {  	[sflag:s23] =	ssyncset.done $0x0  }
0xa9: {  	s5 =	sadd.s32 $0x2900, s3;
	[sflag:s23] =	ssyncadd.s32 $0xFFFFE000  }
0xaa: {  	[spmem:s2] =	stream.indirect.scatter.add.f32 [tilespmem:s21], [sflag:$0xB], $0x40, s5, s19, $0xb8;
	[tilespmem:$0x1F000] =	vst v63  }
0xab: {  	_ =	swait.ge [sflag:s24], $0x2000  }
0xac: {  	[sflag:s24] =	ssyncset.done $0x0  }
0xad: {  	s6 =	simm.s32 @!p0 $0xD;
	s5 =	sadd.s32 $0x2980, s3;
	[sflag:s24] =	ssyncadd.s32 $0xFFFFE000  }
0xae: {  	[spmem:s2] =	stream.indirect.scatter.add.f32 [tilespmem:s22], [sflag:$0xC], $0x40, s5, s19, $0xb8;
	[tilespmem:$0x1F000] =	vst v63  }
0xaf: {  	_ =	swait.ge @!p0 [sflag:s6], $0x2000  }
0xb0: {  	[sflag:s6] =	ssyncset.done @!p0 $0x0  }
0xb1: {  	s5 =	simm.s32 @!p0 $0xE;
	[sflag:s6] =	ssyncadd.s32 @!p0 $0xFFFFE000  }
0xb2: {  	_ =	swait.ge @!p0 [sflag:s5], $0x2000  }
0xb3: {  	[sflag:s5] =	ssyncset.done @!p0 $0x0  }
0xb4: {  	[sflag:s5] =	ssyncadd.s32 @!p0 $0xFFFFE000;
	s5 =	simm.s32 @!p0 $0xF  }
0xb5: {  	_ =	swait.ge @!p0 [sflag:s5], $0x2000  }
0xb6: {  	[sflag:s5] =	ssyncset.done @!p0 $0x0  }
0xb7: {  	[sflag:s5] =	ssyncadd.s32 @!p0 $0xFFFFE000;
	s5 =	simm.s32 @!p0 $0x10  }
0xb8: {  	_ =	swait.ge @!p0 [sflag:s5], $0x2000  }
0xb9: {  	[sflag:s5] =	ssyncset.done @!p0 $0x0  }
0xba: {  	[sflag:s5] =	ssyncadd.s32 @!p0 $0xFFFFE000;
	s5 =	sadd.s32 $0x200, s3  }
0xbb: {  	[tilespmem:s25], [sflag:$0x5] =	stream.indirect.gather [hbm4b:s4+s19], $0x40, s5, s19, $0xb8;
	[tilespmem:$0x1F000] =	vst v63  }
0xbc: {  	s5 =	sadd.s32 $0x280, s3  }
0xbd: {  	[tilespmem:s26], [sflag:$0x6] =	stream.indirect.gather [hbm4b:s4+s19], $0x40, s5, s19, $0xb8;
	[tilespmem:$0x1F000] =	vst v63  }
0xbe: {  	s5 =	sadd.s32 $0x300, s3  }
0xbf: {  	[tilespmem:s28], [sflag:$0x7] =	stream.indirect.gather [hbm4b:s4+s19], $0x40, s5, s19, $0xb8;
	[tilespmem:$0x1F000] =	vst v63  }
0xc0: {  	s5 =	sadd.s32 $0x380, s3  }
0xc1: {  	[tilespmem:s29], [sflag:$0x8] =	stream.indirect.gather [hbm4b:s4+s19], $0x40, s5, s19, $0xb8;
	[tilespmem:$0x1F000] =	vst v63  }
0xc2: {  	_ =	swait.ge [sflag:s30], $0x2000  }
0xc3: {  	[sflag:s30] =	ssyncset.done $0x0  }
0xc4: {  	s5 =	sadd.s32 $0x2A00, s3;
	[sflag:s30] =	ssyncadd.s32 $0xFFFFE000  }
0xc5: {  	[spmem:s2] =	stream.indirect.scatter.add.f32 [tilespmem:s25], [sflag:$0xD], $0x40, s5, s19, $0xb8;
	[tilespmem:$0x1F000] =	vst v63  }
0xc6: {  	_ =	swait.ge [sflag:s31], $0x2000  }
0xc7: {  	[sflag:s31] =	ssyncset.done $0x0  }
0xc8: {  	s5 =	sadd.s32 $0x2A80, s3;
	[sflag:s31] =	ssyncadd.s32 $0xFFFFE000  }
0xc9: {  	[spmem:s2] =	stream.indirect.scatter.add.f32 [tilespmem:s26], [sflag:$0xE], $0x40, s5, s19, $0xb8;
	[tilespmem:$0x1F000] =	vst v63  }
0xca: {  	_ =	swait.ge [sflag:s0], $0x2000  }
.Ltmp1:
0xcb: {  	[sflag:s0] =	ssyncset.done $0x0;
	(pc) =	sbr.rel @p1 .LBB2_4-.Ltmp1, $4  }
0xcc: {  	s5 =	sadd.s32 $0x2B00, s3;
	[sflag:s0] =	ssyncadd.s32 $0xFFFFE000  }
0xcd: {  	[spmem:s2] =	stream.indirect.scatter.add.f32 [tilespmem:s28], [sflag:$0xF], $0x40, s5, s19, $0xb8;
	[tilespmem:$0x1F000] =	vst v63  }
0xce: {  	_ =	swait.ge [sflag:s14], $0x2000  }
0xcf: {  	p0 =	seq.s32 s13, $0x0;
	s3 =	sadd.s32 $0x2B80, s3;
	[sflag:s14] =	ssyncset.done $0x0  }
0xd0: {  	[sflag:s14] =	ssyncadd.s32 $0xFFFFE000;
	s1 =	simm.s32 @!p0 $0x9  }
0xd1: {  	[spmem:s2] =	stream.indirect.scatter.add.f32 [tilespmem:s29], [sflag:$0x10], $0x40, s3, s19, $0xb8;
	[tilespmem:$0x1F000] =	vst v63  }
0xd2: {  	_ =	swait.ge @!p0 [sflag:s1], $0x2000  }
0xd3: {  	[sflag:s1] =	ssyncset.done @!p0 $0x0  }
0xd4: {  	[sflag:s1] =	ssyncadd.s32 @!p0 $0xFFFFE000;
	s1 =	simm.s32 @!p0 $0xA  }
0xd5: {  	_ =	swait.ge @!p0 [sflag:s1], $0x2000  }
0xd6: {  	[sflag:s1] =	ssyncset.done @!p0 $0x0  }
0xd7: {  	[sflag:s1] =	ssyncadd.s32 @!p0 $0xFFFFE000;
	s1 =	simm.s32 @!p0 $0xB  }
0xd8: {  	_ =	swait.ge @!p0 [sflag:s1], $0x2000  }
0xd9: {  	[sflag:s1] =	ssyncset.done @!p0 $0x0  }
0xda: {  	[sflag:s1] =	ssyncadd.s32 @!p0 $0xFFFFE000;
	s1 =	simm.s32 @!p0 $0xC  }
0xdb: {  	_ =	swait.ge @!p0 [sflag:s1], $0x2000  }
0xdc: {  	[sflag:s1] =	ssyncset.done @!p0 $0x0  }
0xdd: {  	[sflag:s1] =	ssyncadd.s32 @!p0 $0xFFFFE000;
	s1 =	sshra.s32 s13, $0x2  }
0xde: {  	[tilespmem:s15], [sflag:$0x1] =	stream.indirect.gather [hbm4b:s4+s19], $0x40, s1, s19, $0xb8;
	[tilespmem:$0x1F000] =	vst v63  }
0xdf: {  	s6 =	sadd.s32 $0x80, s1  }
0xe0: {  	[tilespmem:s20], [sflag:$0x2] =	stream.indirect.gather [hbm4b:s4+s19], $0x40, s6, s19, $0xb8;
	[tilespmem:$0x1F000] =	vst v63  }
0xe1: {  	s13 =	sadd.s32 $0x100, s1  }
0xe2: {  	[tilespmem:s21], [sflag:$0x3] =	stream.indirect.gather [hbm4b:s4+s19], $0x40, s13, s19, $0xb8;
	[tilespmem:$0x1F000] =	vst v63  }
0xe3: {  	s5 =	sadd.s32 $0x180, s1  }
0xe4: {  	[tilespmem:s22], [sflag:$0x4] =	stream.indirect.gather [hbm4b:s4+s19], $0x40, s5, s19, $0xb8;
	[tilespmem:$0x1F000] =	vst v63  }
0xe5: {  	_ =	swait.ge [sflag:s16], $0x2000  }
0xe6: {  	[sflag:s16] =	ssyncset.done $0x0  }
0xe7: {  	s6 =	sadd.s32 $0x2800, s1;
	[sflag:s16] =	ssyncadd.s32 $0xFFFFE000  }
0xe8: {  	[spmem:s2] =	stream.indirect.scatter.add.f32 [tilespmem:s15], [sflag:$0x9], $0x40, s6, s19, $0xb8;
	[tilespmem:$0x1F000] =	vst v63  }
0xe9: {  	_ =	swait.ge [sflag:s17], $0x2000  }
0xea: {  	[sflag:s17] =	ssyncset.done $0x0  }
0xeb: {  	s13 =	sadd.s32 $0x2880, s1;
	[sflag:s17] =	ssyncadd.s32 $0xFFFFE000  }
0xec: {  	[spmem:s2] =	stream.indirect.scatter.add.f32 [tilespmem:s20], [sflag:$0xA], $0x40, s13, s19, $0xb8;
	[tilespmem:$0x1F000] =	vst v63  }
0xed: {  	_ =	swait.ge [sflag:s23], $0x2000  }
0xee: {  	[sflag:s23] =	ssyncset.done $0x0  }
0xef: {  	s5 =	sadd.s32 $0x2900, s1;
	[sflag:s23] =	ssyncadd.s32 $0xFFFFE000  }
0xf0: {  	[spmem:s2] =	stream.indirect.scatter.add.f32 [tilespmem:s21], [sflag:$0xB], $0x40, s5, s19, $0xb8;
	[tilespmem:$0x1F000] =	vst v63  }
0xf1: {  	_ =	swait.ge [sflag:s24], $0x2000  }
0xf2: {  	[sflag:s24] =	ssyncset.done $0x0  }
0xf3: {  	s3 =	simm.s32 @!p0 $0xD;
	s6 =	sadd.s32 $0x2980, s1;
	[sflag:s24] =	ssyncadd.s32 $0xFFFFE000  }
0xf4: {  	[spmem:s2] =	stream.indirect.scatter.add.f32 [tilespmem:s22], [sflag:$0xC], $0x40, s6, s19, $0xb8;
	[tilespmem:$0x1F000] =	vst v63  }
0xf5: {  	_ =	swait.ge @!p0 [sflag:s3], $0x2000  }
0xf6: {  	[sflag:s3] =	ssyncset.done @!p0 $0x0  }
0xf7: {  	[sflag:s3] =	ssyncadd.s32 @!p0 $0xFFFFE000;
	s3 =	simm.s32 @!p0 $0xE  }
0xf8: {  	_ =	swait.ge @!p0 [sflag:s3], $0x2000  }
0xf9: {  	[sflag:s3] =	ssyncset.done @!p0 $0x0  }
0xfa: {  	[sflag:s3] =	ssyncadd.s32 @!p0 $0xFFFFE000;
	s3 =	simm.s32 @!p0 $0xF  }
0xfb: {  	_ =	swait.ge @!p0 [sflag:s3], $0x2000  }
0xfc: {  	[sflag:s3] =	ssyncset.done @!p0 $0x0  }
0xfd: {  	[sflag:s3] =	ssyncadd.s32 @!p0 $0xFFFFE000;
	s3 =	simm.s32 @!p0 $0x10  }
0xfe: {  	_ =	swait.ge @!p0 [sflag:s3], $0x2000  }
0xff: {  	[sflag:s3] =	ssyncset.done @!p0 $0x0  }
0x100: {  	s13 =	sadd.s32 $0x200, s1;
	[sflag:s3] =	ssyncadd.s32 @!p0 $0xFFFFE000  }
0x101: {  	[tilespmem:s25], [sflag:$0x5] =	stream.indirect.gather [hbm4b:s4+s19], $0x40, s13, s19, $0xb8;
	[tilespmem:$0x1F000] =	vst v63  }
0x102: {  	s5 =	sadd.s32 $0x280, s1  }
0x103: {  	[tilespmem:s26], [sflag:$0x6] =	stream.indirect.gather [hbm4b:s4+s19], $0x40, s5, s19, $0xb8;
	[tilespmem:$0x1F000] =	vst v63  }
0x104: {  	s6 =	sadd.s32 $0x300, s1  }
0x105: {  	[tilespmem:s28], [sflag:$0x7] =	stream.indirect.gather [hbm4b:s4+s19], $0x40, s6, s19, $0xb8;
	[tilespmem:$0x1F000] =	vst v63  }
0x106: {  	s13 =	sadd.s32 $0x380, s1  }
0x107: {  	[tilespmem:s29], [sflag:$0x8] =	stream.indirect.gather [hbm4b:s4+s19], $0x40, s13, s19, $0xb8;
	[tilespmem:$0x1F000] =	vst v63  }
0x108: {  	_ =	swait.ge [sflag:s30], $0x2000  }
0x109: {  	[sflag:s30] =	ssyncset.done $0x0  }
0x10a: {  	s5 =	sadd.s32 $0x2A00, s1;
	[sflag:s30] =	ssyncadd.s32 $0xFFFFE000  }
0x10b: {  	[spmem:s2] =	stream.indirect.scatter.add.f32 [tilespmem:s25], [sflag:$0xD], $0x40, s5, s19, $0xb8;
	[tilespmem:$0x1F000] =	vst v63  }
0x10c: {  	_ =	swait.ge [sflag:s31], $0x2000  }
0x10d: {  	[sflag:s31] =	ssyncset.done $0x0  }
0x10e: {  	s6 =	sadd.s32 $0x2A80, s1;
	[sflag:s31] =	ssyncadd.s32 $0xFFFFE000  }
0x10f: {  	[spmem:s2] =	stream.indirect.scatter.add.f32 [tilespmem:s26], [sflag:$0xE], $0x40, s6, s19, $0xb8;
	[tilespmem:$0x1F000] =	vst v63  }
0x110: {  	_ =	swait.ge [sflag:s0], $0x2000  }
0x111: {  	[sflag:s0] =	ssyncset.done $0x0  }
0x112: {  	s13 =	sadd.s32 $0x2B00, s1;
	[sflag:s0] =	ssyncadd.s32 $0xFFFFE000  }
0x113: {  	[spmem:s2] =	stream.indirect.scatter.add.f32 [tilespmem:s28], [sflag:$0xF], $0x40, s13, s19, $0xb8;
	[tilespmem:$0x1F000] =	vst v63  }
0x114: {  	_ =	swait.ge [sflag:s14], $0x2000  }
0x115: {  	[sflag:s14] =	ssyncset.done $0x0  }
0x116: {  	s1 =	sadd.s32 $0x2B80, s1;
	[sflag:s14] =	ssyncadd.s32 $0xFFFFE000  }
0x117: {  	[spmem:s2] =	stream.indirect.scatter.add.f32 [tilespmem:s29], [sflag:$0x10], $0x40, s1, s19, $0xb8;
	[tilespmem:$0x1F000] =	vst v63  }
0x118: {  	_ =	swait.ge [sflag:s18], $0x2000  }
0x119: {  	[sflag:s18] =	ssyncset.done $0x0  }
0x11a: {  	s5 =	simm.s32 $0xA;
	[sflag:s18] =	ssyncadd.s32 $0xFFFFE000  }
0x11b: {  	_ =	swait.ge [sflag:s5], $0x2000  }
0x11c: {  	[sflag:s5] =	ssyncset.done $0x0  }
0x11d: {  	s6 =	simm.s32 $0xB;
	[sflag:s5] =	ssyncadd.s32 $0xFFFFE000  }
0x11e: {  	_ =	swait.ge [sflag:s6], $0x2000  }
0x11f: {  	[sflag:s6] =	ssyncset.done $0x0  }
0x120: {  	s13 =	simm.s32 $0xC;
	[sflag:s6] =	ssyncadd.s32 $0xFFFFE000  }
0x121: {  	_ =	swait.ge [sflag:s13], $0x2000  }
0x122: {  	[sflag:s13] =	ssyncset.done $0x0  }
0x123: {  	s3 =	simm.s32 $0xD;
	[sflag:s13] =	ssyncadd.s32 $0xFFFFE000  }
0x124: {  	_ =	swait.ge [sflag:s3], $0x2000  }
0x125: {  	[sflag:s3] =	ssyncset.done $0x0  }
0x126: {  	[sflag:s3] =	ssyncadd.s32 $0xFFFFE000  }
0x127: {  	_ =	swait.ge [sflag:s8], $0x2000  }
0x128: {  	[sflag:s8] =	ssyncset.done $0x0  }
0x129: {  	[sflag:s8] =	ssyncadd.s32 $0xFFFFE000  }
0x12a: {  	_ =	swait.ge [sflag:s9], $0x2000  }
0x12b: {  	[sflag:s9] =	ssyncset.done $0x0  }
0x12c: {  	[sflag:s9] =	ssyncadd.s32 $0xFFFFE000  }
0x12d: {  	_ =	swait.ge [sflag:s10], $0x2000  }
0x12e: {  	[sflag:s10] =	ssyncset.done $0x0  }
0x12f: {  	s5 =	stileid.u32;
	[sflag:s10] =	ssyncadd.s32 $0xFFFFE000  }
0x130: {  	s1 =	sshll.u32 s5, $0x6;
	[bflag:$0x0] =	sbarrier.arrive $0xFFFF  }
0x131: {  	s1 =	sor.u32 $0x1C11, s1;
	s6 =	sshrl.u32 s7, $0x3;
	s5 =	rddreg [dreg:$0x9]  }
0x132: {  	[hbm:s5], [sflag:s1] =	dma.local [spmem:s6], $0x1400  }
0x133: {  	_ =	swait.ge [sflag:s11], $0x1400  }
0x134: {  	s12 =	sadd.s32 $0x1, s12;
	s13 =	rddreg [dreg:$0xa]  }
0x135: {  	p0 =	sne.s32 s12, s13  }
.Ltmp2:
0x136: {  	_ = 	snop;
	(pc) =	sbr.rel @p0 .LBB2_1-.Ltmp2, $3  }
0x137: {  	_ =	sdelay $0x1  }
0x138: {  	[sflag:s11] =	ssyncset.done $0x0  }
0x139: {  	[sflag:s11] =	ssyncadd.s32 $0xFFFFEC00  }
0x13a: {  	_ =	sfence.sel $0x180000  }
0x13b: {  	[bflag:$0x0] =	sbarrier.arrive $0xFFFF  }
0x13c: {  	_ =	strace $0x9000004A  }
0x13d: {  	s0 =	stileid.u32;
	[bflag:$0x2] =	sbarrier.arrive $0xFFFF  }
0x13e: {  	p0 =	sne.s32 s0, $0x0;
	s0 =	rddreg [dreg:$0x2]  }
0x13f: {  	s0 =	sadd.s32 @!p0 $0x100000, s0  }
0x140: {  	[sflag:s0] =	ssyncadd.tile.s32 @!p0 $0x1;
	_ =	shalt  }
.Lfunc_end2:
_tile_overlayer_lowered:
.L_overlay_start_2:
0x141: {  	(tag) =	ssettag $0x2  }
0x142: {  	s0 =	rddreg [dreg:$0x0];
	s2 =	stileid.u32  }
0x143: {  	s1 =	rddreg [dreg:$0x1];
	p0 =	sne.s32 s2, $0x0  }
0x144: {  	s3 =	rddreg [dreg:$0x2];
	[bflag:$0x3] =	sbarrier.arrive $0xFFFF;
	s2 =	simm.s32 @!p0 $0x1C11  }
0x145: {  	[timem:s3], [sflag:s2] =	dma.local @!p0 [hbm:s0], s1  }
0x146: {  	s0 =	simm.s32 @!p0 $0x11  }
0x147: {  	_ =	swait.ge @!p0 [sflag:s0], s1  }
0x148: {  	s1 =	ssub.s32 @!p0 $0x0, s1;
	[sflag:s0] =	ssyncset.done @!p0 $0x0  }
0x149: {  	[sflag:s0] =	ssyncadd.s32 @!p0 s1  }
0x14a: {  	[bflag:$0x3] =	sbarrier.arrive $0xFFFF  }
0x14b: {  	_ =	shalt  }

// kernel: kernel.6.cloned.1.call-start
scs
__scs_entry_jumppad:
0x0: {  	(pc) =	sbr.rel $0x88, $3  }
0x1: {  	(tag) =	ssettag $0x0;
	lr =	simm.s32 $0x1  }
0x2: {  	[smem:$0x3F8F] =	sst lr;
	_ =	strace $0xD0000000  }
0x3: {  	_ = 	snop  }
0x4: {  	_ = 	snop  }
0x5: {  	_ = 	snop  }
0x6: {  	_ = 	snop  }
0x7: {  	_ = 	snop  }
__scs_overlays_trampoline_lowered:
0x8: {  	[smem:$0x3F9E] =	sst s0  }
0x9: {  	[smem:$0x3F9F] =	sst s1  }
0xa: {  	[smem:$0x3FA0] =	sst s2  }
0xb: {  	[smem:$0x3FA1] =	sst s3  }
0xc: {  	[smem:$0x3FA2] =	sst s4  }
0xd: {  	[smem:$0x3FA3] =	sst s5  }
0xe: {  	[smem:$0x3FA4] =	sst s6  }
0xf: {  	[smem:$0x3FA5] =	sst s7  }
0x10: {  	[smem:$0x3FA6] =	sst s8  }
0x11: {  	[smem:$0x3FA7] =	sst s9;
	s0 =	simm.s32 @!p0 $0x0  }
0x12: {  	s1 =	sld [smem:$0x3F8D];
	s0 =	simm.s32 @p0 $0x1  }
0x13: {  	[smem:$0x3FA8] =	sst s0;
	s0 =	simm.s32 @!p1 $0x0  }
0x14: {  	s2 =	sld [smem:$0x3F8C];
	s0 =	simm.s32 @p1 $0x1  }
0x15: {  	[smem:$0x3FA9] =	sst s0;
	s0 =	simm.s32 @!p2 $0x0  }
0x16: {  	s3 =	sld [smem:$0x3FDB];
	s0 =	simm.s32 @p2 $0x1  }
0x17: {  	s4 =	simm.s32 $0x1BF5;
	[smem:$0x3FAB] =	sst s0  }
0x18: {  	s0 =	sld [smem:$0x3F8E];
	_ =	swait.ge [sflag:s4], $0x0  }
0x19: {  	s7 =	sld [smem:$0x3F8F]  }
0x1a: {  	s8 =	sadd.s32 $0xFFFFE003, lr  }
0x1b: {  	s9 =	sadd.s32 $0xFFFFFEF7, lr;
	s5 =	simm.s32 $0xFFFFFFFF;
	p2 =	slt.u32 s8, $0xFFFFF086  }
0x1c: {  	p1 =	slt.u32 s9, $0xF7A;
	s5 =	simm.s32 @!p2 $0x0  }
0x1d: {  	s5 =	simm.s32 @p1 $0x1;
	p0 =	seq.s32 s7, s2  }
0x1e: {  	s7 =	smul.u32 @!p0 $0xF7A, s2;
	p2 =	seq.s32 @!p0 s5, $0x0  }
0x1f: {  	s9 =	smul.u32 $0xF7A, s1;
	s8 =	simm.s32 @!p0 $0x1BF5;
	p2 =	por !p2, p0  }
0x20: {  	[sflag:s8] =	ssyncset.s32 @!p0 $0xFFFFF086;
	s6 =	sadd.s32 @!p0 s3, s7;
	s7 =	simm.s32 @!p0 $0x108  }
0x21: {  	s3 =	sadd.s32 s3, s9;
	s6 =	sadd.s32 @!p0 $0x88, s6;
	s7 =	simm.s32 @p2 $0x1082  }
0x22: {  	[simem:s7], [sflag:s8] =	dma.local @!p0 [hbm:s6], $0xF7A  }
0x23: {  	s9 =	sor.u32 $0xD0000000, s2;
	s6 =	simm.s32 $0x108;
	_ =	swait.ge @!p0 [sflag:s8], $0x0  }
0x24: {  	s3 =	sadd.s32 $0x88, s3;
	s6 =	simm.s32 @!p1 $0x1082;
	[sflag:s4] =	ssyncset.s32 $0xFFFFF086  }
0x25: {  	[simem:s6], [sflag:s4] =	dma.local [hbm:s3], $0xF7A  }
0x26: {  	[smem:$0x3F8F] =	sst s1;
	(tag) =	ssettag s2;
	_ =	strace s9  }
0x27: {  	s1 =	sld [smem:$0x3F9F]  }
0x28: {  	s2 =	sld [smem:$0x3FA0]  }
0x29: {  	s4 =	sld [smem:$0x3FA2]  }
0x2a: {  	p0 =	seq.s32 s5, $0x0;
	s5 =	sld [smem:$0x3FA3]  }
0x2b: {  	s6 =	sld [smem:$0x3FA4]  }
0x2c: {  	s7 =	sld [smem:$0x3FA5]  }
0x2d: {  	s3 =	simm.s32 $0x108;
	s8 =	sld [smem:$0x3FA6]  }
0x2e: {  	s3 =	simm.s32 @!p0 $0x1082;
	s9 =	sld [smem:$0x3FA7]  }
0x2f: {  	lr =	sadd.s32 s0, s3;
	s0 =	sld [smem:$0x3F9E]  }
0x30: {  	s3 =	sld [smem:$0x3FA1]  }
0x31: {  	[smem:$0x3FAA] =	sst s10  }
0x32: {  	s10 =	sld [smem:$0x3FA8];
	_ =	sdelay $0x3  }
0x33: {  	p0 =	seq.s32 s10, $0x1;
	s10 =	sld [smem:$0x3FAA];
	_ =	sdelay $0x3  }
0x34: {  	[smem:$0x3FAA] =	sst s10  }
0x35: {  	s10 =	sld [smem:$0x3FA9];
	_ =	sdelay $0x3  }
0x36: {  	p1 =	seq.s32 s10, $0x1;
	s10 =	sld [smem:$0x3FAA];
	_ =	sdelay $0x3  }
0x37: {  	[smem:$0x3FAA] =	sst s10  }
0x38: {  	s10 =	sld [smem:$0x3FAB]  }
0x39: {  	_ = 	snop;
	(pc) =	sbr.ind lr, $3  }
0x3a: {  	_ = 	snop  }
0x3b: {  	_ = 	snop  }
0x3c: {  	p2 =	seq.s32 s10, $0x1;
	s10 =	sld [smem:$0x3FAA]  }
0x3d: {  	_ =	shalt  }
0x3e: {  	_ =	shalt  }
0x3f: {  	_ =	shalt  }
0x40: {  	_ =	shalt  }
0x41: {  	_ =	shalt  }
0x42: {  	_ =	shalt  }
0x43: {  	_ =	shalt  }
0x44: {  	_ =	shalt  }
0x45: {  	_ =	shalt  }
0x46: {  	_ =	shalt  }
0x47: {  	_ =	shalt  }
0x48: {  	_ =	shalt  }
0x49: {  	_ =	shalt  }
0x4a: {  	_ =	shalt  }
0x4b: {  	_ =	shalt  }
0x4c: {  	_ =	shalt  }
0x4d: {  	_ =	shalt  }
0x4e: {  	_ =	shalt  }
0x4f: {  	_ =	shalt  }
0x50: {  	_ =	shalt  }
0x51: {  	_ =	shalt  }
0x52: {  	_ =	shalt  }
0x53: {  	_ =	shalt  }
0x54: {  	_ =	shalt  }
0x55: {  	_ =	shalt  }
0x56: {  	_ =	shalt  }
0x57: {  	_ =	shalt  }
0x58: {  	_ =	shalt  }
0x59: {  	_ =	shalt  }
0x5a: {  	_ =	shalt  }
0x5b: {  	_ =	shalt  }
0x5c: {  	_ =	shalt  }
0x5d: {  	_ =	shalt  }
0x5e: {  	_ =	shalt  }
0x5f: {  	_ =	shalt  }
0x60: {  	_ =	shalt  }
0x61: {  	_ =	shalt  }
0x62: {  	_ =	shalt  }
0x63: {  	_ =	shalt  }
0x64: {  	_ =	shalt  }
0x65: {  	_ =	shalt  }
0x66: {  	_ =	shalt  }
0x67: {  	_ =	shalt  }
0x68: {  	_ =	shalt  }
0x69: {  	_ =	shalt  }
0x6a: {  	_ =	shalt  }
0x6b: {  	_ =	shalt  }
0x6c: {  	_ =	shalt  }
0x6d: {  	_ =	shalt  }
0x6e: {  	_ =	shalt  }
0x6f: {  	_ =	shalt  }
0x70: {  	_ =	shalt  }
0x71: {  	_ =	shalt  }
0x72: {  	_ =	shalt  }
0x73: {  	_ =	shalt  }
0x74: {  	_ =	shalt  }
0x75: {  	_ =	shalt  }
0x76: {  	_ =	shalt  }
0x77: {  	_ =	shalt  }
0x78: {  	_ =	shalt  }
0x79: {  	_ =	shalt  }
0x7a: {  	_ =	shalt  }
0x7b: {  	_ =	shalt  }
0x7c: {  	_ =	shalt  }
0x7d: {  	_ =	shalt  }
0x7e: {  	_ =	shalt  }
0x7f: {  	_ =	shalt  }
0x80: {  	_ =	shalt  }
0x81: {  	_ =	shalt  }
0x82: {  	_ =	shalt  }
0x83: {  	_ =	shalt  }
0x84: {  	_ =	shalt  }
0x85: {  	_ =	shalt  }
0x86: {  	_ =	shalt  }
0x87: {  	_ =	shalt  }
.Lfunc_end0:
.L_simem_size_0:
called_computation.1_lowered:
.L_overlay_start_0:
0x88: {  	s2 =	sld [smem:$0x3FD9]  }
0x89: {  	s3 =	sld [smem:$0x3FFE];
	_ =	sdelay $0x1  }
0x8a: {  	s1 =	srdreg.scid  }
0x8b: {  	s0 =	sand.u32 $0x1, s1  }
0x8c: {  	s16 =	sshll.u32 s0, $0xA;
	s2 =	sadd.s32 s3, s2  }
0x8d: {  	s2 =	sadd.s32 s2, s16  }
0x8e: {  	[smem:$0x3FB6] =	sst s2  }
0x8f: {  	_ = 	snop  }
0x90: {  	(tm) =	ssettm $0x1  }
0x91: {  	s17 =	sld [smem:$0x3FFB];
	_ =	sdelay $0x3  }
0x92: {  	_ =	strace s17  }
0x93: {  	s2 =	sld [smem:$0x3FFC];
	_ =	sdelay $0x3  }
0x94: {  	_ =	strace s2  }
0x95: {  	s2 =	sld [smem:$0x3FFD];
	_ =	sdelay $0x3  }
0x96: {  	_ =	strace s2  }
0x97: {  	_ =	strace $0x8FFFFFFF  }
0x98: {  	s18 =	sld [smem:$0x3FDB];
	_ =	sdelay $0x1  }
0x99: {  	s19 =	simm.s32 $_scs_section_size  }
0x9a: {  	s4 =	simm.s32 $_size__tile_overlayer_lowered;
	s5 =	simm.s32 $_tile_overlayer_lowered  }
0x9b: {  	s22 =	simm.s32 $0x1BFF;
	s21 =	sshll.u32 s5, $0x1;
	s2 =	sadd.s32 s19, s18  }
0x9c: {  	s6 =	simm.s32 $0x0;
	s20 =	sshll.u32 s4, $0x1;
	s4 =	sadd.s32 s21, s2  }
0x9d: {  	[timem:s6], [sflag:s22] =	dma.local [hbm:s4], s20  }
0x9e: {  	_ =	swait.ge [sflag:s22], s20  }
0x9f: {  	s3 =	ssub.s32 $0x0, s20;
	[sflag:s22] =	ssyncset.done $0x0  }
0xa0: {  	[sflag:s22] =	ssyncadd.s32 s3;
	_ =	sdelay $0x1  }
0xa1: {  	s23 =	simm.s32 $0x1B8B  }
0xa2: {  	_ =	swait.ge [sflag:s23], $0x1  }
0xa3: {  	[sflag:s23] =	ssyncset.done $0x0  }
0xa4: {  	s25 =	simm.s32 $0x1B8E;
	s24 =	sld [smem:$0x3FFE];
	[sflag:s23] =	ssyncadd.s32 $0xFFFFFFFF  }
0xa5: {  	s26 =	simm.s32 $execute0_lowered;
	[smem:$0x3FD2] =	sst s25  }
0xa6: {  	s4 =	sshll.u32 s26, $0x1;
	_ =	strace $0x80000046;
	[dreg:$0x1] =	wrdreg $0xFFFFFFFF  }
0xa7: {  	s28 =	simm.s32 $_size_execute0_lowered;
	s2 =	sadd.s32 s2, s4;
	[dreg:$0x0] =	wrdreg $0x0  }
0xa8: {  	s4 =	sshll.u32 s28, $0x1;
	[dreg:$0x2] =	wrdreg s2  }
0xa9: {  	[dreg:$0x3] =	wrdreg s4  }
0xaa: {  	[dreg:$0x4] =	wrdreg $0xC0  }
0xab: {  	_ =	task [dreg:s6], $0x5FFFF  }
0xac: {  	[dreg:$0x1] =	wrdreg $0xFFFFFFFF  }
0xad: {  	[dreg:$0x0] =	wrdreg $0x60  }
0xae: {  	[dreg:$0x2] =	wrdreg s24  }
0xaf: {  	[dreg:$0x3] =	wrdreg $0x5C000  }
0xb0: {  	[dreg:$0x4] =	wrdreg $0x9  }
0xb1: {  	_ =	task.clear_ibuf [dreg:s6], $0x5FFFF;
	_ =	strace $0x90000046  }
0xb2: {  	s29 =	simm.s32 $0x9;
	_ =	strace $0x80000048  }
0xb3: {  	_ =	swait.ge [sflag:s29], $0x1  }
0xb4: {  	[sflag:s29] =	ssyncadd.s32 $0xFFFFFFFF  }
0xb5: {  	_ =	strace $0x90000048  }
0xb6: {  	_ =	sfence  }
0xb7: {  	s30 =	sld [smem:$0x0];
	_ =	sdelay $0x2  }
0xb8: {  	s31 =	sshll.u32 s1, $0xD;
	s1 =	sshrl.u32 s1, $0x2  }
0xb9: {  	s3 =	sand.u32 $0x4000, s31;
	s1 =	sadd.s32 s1, s30  }
0xba: {  	s0 =	sor.u32 s3, s0;
	s1 =	sshll.u32 s1, $0x11  }
0xbb: {  	s0 =	sor.u32 s1, s0  }
0xbc: {  	s0 =	sadd.s32 $0x8F2B, s0  }
0xbd: {  	[sflag:s0] =	ssyncadd.remote.s32 $0x1  }
0xbe: {  	_ =	sfence.sel $0xFFFF  }
0xbf: {  	[dreg:$0x0] =	wrdreg $0xFFFFFFFF;
	(pc) =	sbr.abs _section_cstart, $3  }
0xc0: {  	[dreg:$0x1] =	wrdreg $0xFFFFFFFF  }
0xc1: {  	_ =	task.clear_ibuf [dreg:s6], $0x2FFFF;
	_ =	strace $0x9FFFFFFF  }
0xc2: {  	(tm) =	ssettm $0x7FFFFFFF  }
0xc3: {  	_ =	shalt  }
tec
execute0_lowered:
.L_overlay_start_1:
0x0: {  	(tag) =	ssettag $0x1  }
0x1: {  	s0 =	srdreg.scid;
	s6 =	rddreg [dreg:$0x0]  }
0x2: {  	s2 =	rddreg [dreg:$0x1];
	s3 =	simm.s32 $0x0;
	s16 =	simm.s32 $0x5000  }
0x3: {  	s17 =	simm.s32 $0x3;
	s18 =	simm.s32 $0x5400;
	s19 =	simm.s32 $0x5800  }
0x4: {  	s20 =	simm.s32 $0x80;
	s5 =	sand.u32 $0x1, s0;
	s0 =	stileid.u32  }
0x5: {  	s21 =	simm.s32 $0x1;
	s22 =	simm.s32 $0x2;
	s7 =	smul.u32 $0x1400, s0  }
0x6: {  	s25 =	simm.s32 $0x0;
	[smem:$0x7FF] =	sst s3;
	s8 =	smul.u32 $0x14000, s5  }
0x7: {  	s1 =	sshll.u32 s5, $0x4;
	s9 =	smul.u32 $0x5000, s0;
	s5 =	ssub.s32 $0x2, s5  }
0x8: {  	s23 =	sshll.u32 s0, $0x6;
	s1 =	sor.u32 s0, s1;
	s31 =	sshrl.u32 s5, $0x1  }
0x9: {  	s23 =	sor.u32 $0x1C03, s23;
	s4 =	smul.u32 $0x500, s1;
	s1 =	rddreg [dreg:$0x2]  }
0xa: {  	_ =	strace $0x80000047;
	s8 =	sadd.s32 s7, s8;
	s9 =	sshrl.u32 s9, $0x2  }
0xb: {  	s15 =	ssub.s32 s5, s31;
	s5 =	sadd.s32 $0x2E80, s6;
	s7 =	sadd.s32 s7, s2  }
0xc: {  	s8 =	sshrl.u32 s8, $0x3;
	s11 =	sadd.s32 s9, s2;
	s15 =	smax.u32 s15, $0x1  }
0xd: {  	s24 =	sshrl.u32 s7, $0x3;
	s13 =	sadd.s32 s4, s6;
	s4 =	sadd.s32 $0x2E00, s6  }
0xe: {  	s14 =	sadd.s32 s8, s6;
	s6 =	sadd.s32 $0x2F00, s6;
	s8 =	sadd.s32 $0x400, s11  }
0xf: {  	s9 =	sadd.s32 $0x800, s11;
	s10 =	sadd.s32 $0xC00, s11;
	s11 =	sadd.s32 $0x1000, s11  }
0x10: {  	s12 =	sadd.s32 $0xD000, s13;
	s13 =	sadd.s32 $0x3000, s13;
	s14 =	sadd.s32 $0x17000, s14  }
.LBB2_1:
0x11: {  	[tilespmem:s16], [sflag:$0x3] =	stream.linear.gather [hbm4b:s4+s3], $0x400, $0x38;
	[tilespmem:$0x7000] =	vst v63  }
0x12: {  	_ =	swait.ge [sflag:s17], $0x400  }
0x13: {  	[sflag:s17] =	ssyncset.done $0x0  }
0x14: {  	[sflag:s17] =	ssyncadd.s32 $0xFFFFFC00  }
0x15: {  	[tilespmem:s18], [sflag:$0x3] =	stream.linear.gather [hbm4b:s5+s3], $0x400, $0x38;
	[tilespmem:$0x7000] =	vst v63  }
0x16: {  	_ =	swait.ge [sflag:s17], $0x400  }
0x17: {  	[sflag:s17] =	ssyncset.done $0x0  }
0x18: {  	[sflag:s17] =	ssyncadd.s32 $0xFFFFFC00  }
0x19: {  	[tilespmem:s19], [sflag:$0x3] =	stream.linear.gather [hbm4b:s6+s3], $0x400, $0x38;
	[tilespmem:$0x7000] =	vst v63  }
0x1a: {  	_ =	swait.ge [sflag:s17], $0x400  }
0x1b: {  	[sflag:s17] =	ssyncset.done $0x0  }
0x1c: {  	[sflag:s17] =	ssyncadd.s32 $0xFFFFFC00  }
0x1d: {  	[spmem:s7] =	stream.linear.scatter [tilespmem:s19], [sflag:$0x3], $0x400, $0x38;
	[tilespmem:$0x7000] =	vst v63  }
0x1e: {  	_ =	swait.ge [sflag:s17], $0x400  }
0x1f: {  	[sflag:s17] =	ssyncset.done $0x0  }
0x20: {  	[sflag:s17] =	ssyncadd.s32 $0xFFFFFC00  }
0x21: {  	[spmem:s8] =	stream.linear.scatter [tilespmem:s19], [sflag:$0x3], $0x400, $0x38;
	[tilespmem:$0x7000] =	vst v63  }
0x22: {  	_ =	swait.ge [sflag:s17], $0x400  }
0x23: {  	[sflag:s17] =	ssyncset.done $0x0  }
0x24: {  	[sflag:s17] =	ssyncadd.s32 $0xFFFFFC00  }
0x25: {  	[spmem:s9] =	stream.linear.scatter [tilespmem:s19], [sflag:$0x3], $0x400, $0x38;
	[tilespmem:$0x7000] =	vst v63  }
0x26: {  	_ =	swait.ge [sflag:s17], $0x400  }
0x27: {  	[sflag:s17] =	ssyncset.done $0x0  }
0x28: {  	[sflag:s17] =	ssyncadd.s32 $0xFFFFFC00  }
0x29: {  	[spmem:s10] =	stream.linear.scatter [tilespmem:s19], [sflag:$0x3], $0x400, $0x38;
	[tilespmem:$0x7000] =	vst v63  }
0x2a: {  	_ =	swait.ge [sflag:s17], $0x400  }
0x2b: {  	[sflag:s17] =	ssyncset.done $0x0  }
0x2c: {  	[sflag:s17] =	ssyncadd.s32 $0xFFFFFC00  }
0x2d: {  	[spmem:s11] =	stream.linear.scatter [tilespmem:s19], [sflag:$0x3], $0x400, $0x38;
	[tilespmem:$0x7000] =	vst v63  }
0x2e: {  	_ =	swait.ge [sflag:s17], $0x400  }
0x2f: {  	[sflag:s17] =	ssyncset.done $0x0  }
0x30: {  	[sflag:s17] =	ssyncadd.s32 $0xFFFFFC00  }
0x31: {  	[tilespmem:s3], [sflag:$0x3] =	stream.linear.gather [hbm4b:s12+s3], $0x2800, $0x38;
	[tilespmem:$0x7000] =	vst v63  }
0x32: {  	_ =	swait.ge [sflag:s17], $0x2800  }
0x33: {  	[sflag:s17] =	ssyncset.done $0x0  }
0x34: {  	s26 =	simm.s32 $0x2800;
	[sflag:s17] =	ssyncadd.s32 $0xFFFFD800  }
0x35: {  	[tilespmem:s26], [sflag:$0x3] =	stream.linear.gather [hbm4b:s13+s3], $0x2800, $0x38;
	[tilespmem:$0x7000] =	vst v63  }
0x36: {  	_ =	swait.ge [sflag:s17], $0x2800  }
0x37: {  	[sflag:s17] =	ssyncset.done $0x0  }
0x38: {  	[sflag:s17] =	ssyncadd.s32 $0xFFFFD800  }
0x39: {  	p0 =	por $0x1, $0x1;
	[bflag:$0x0] =	sbarrier.arrive $0xFFFF  }
0x3a: {  	[spmem:s2] =	stream.indirect.scatter.add.f32 [tilespmem:s16], [sflag:$0x1], $0x8, s3, s20, $0xb8;
	[tilespmem:$0x7000] =	vst v63  }
0x3b: {  	s28 =	simm.s32 @!p0 $0x1  }
0x3c: {  	[spmem:s2] =	stream.indirect.scatter.add.f32 [tilespmem:s18], [sflag:$0x2], $0x8, s26, s20, $0xb8;
	[tilespmem:$0x7000] =	vst v63  }
0x3d: {  	_ =	swait.ge @!p0 [sflag:s28], $0x400  }
0x3e: {  	[sflag:s28] =	ssyncset.done @!p0 $0x0  }
0x3f: {  	s29 =	simm.s32 $0x0;
	s30 =	simm.s32 @!p0 $0x2;
	[sflag:s28] =	ssyncadd.s32 @!p0 $0xFFFFFC00  }
0x40: {  	s26 =	simm.s32 $0x1;
	s28 =	simm.s32 $0x2880;
	_ =	swait.ge @!p0 [sflag:s30], $0x400  }
.LBB2_2:
0x41: {  	[sflag:s30] =	ssyncset.done @!p0 $0x0  }
0x42: {  	s29 =	sadd.s32 $0x80, s29;
	s31 =	smov.u32 s26;
	s26 =	sadd.s32 $0x1, s26  }
0x43: {  	p1 =	sne.s32 s26, $0x50;
	[sflag:s30] =	ssyncadd.s32 @!p0 $0xFFFFFC00  }
0x44: {  	[spmem:s2] =	stream.indirect.scatter.add.f32 [tilespmem:s16], [sflag:$0x1], $0x8, s29, s20, $0xb8;
	[tilespmem:$0x7000] =	vst v63  }
0x45: {  	p0 =	slt.u32 s31, $0x8  }
0x46: {  	[spmem:s2] =	stream.indirect.scatter.add.f32 [tilespmem:s18], [sflag:$0x2], $0x8, s28, s20, $0xb8;
	[tilespmem:$0x7000] =	vst v63  }
.Ltmp0:
0x47: {  	s31 =	simm.s32 @!p0 $0x1;
	(pc) =	sbr.rel @p1 .LBB2_2-.Ltmp0, $4  }
0x48: {  	_ =	swait.ge @!p0 [sflag:s31], $0x400  }
0x49: {  	s30 =	simm.s32 @!p0 $0x2;
	[sflag:s31] =	ssyncset.done @!p0 $0x0  }
0x4a: {  	[sflag:s31] =	ssyncadd.s32 @!p0 $0xFFFFFC00  }
0x4b: {  	s28 =	sadd.s32 $0x80, s28;
	_ =	swait.ge @!p0 [sflag:s30], $0x400  }
0x4c: {  	[sflag:s30] =	ssyncset.done @!p0 $0x0  }
0x4d: {  	[sflag:s30] =	ssyncadd.s32 @!p0 $0xFFFFFC00  }
0x4e: {  	_ =	swait.ge [sflag:s21], $0x400  }
0x4f: {  	[sflag:s21] =	ssyncset.done $0x0  }
0x50: {  	[sflag:s21] =	ssyncadd.s32 $0xFFFFFC00  }
0x51: {  	_ =	swait.ge [sflag:s22], $0x400  }
0x52: {  	[sflag:s22] =	ssyncset.done $0x0  }
0x53: {  	[sflag:s22] =	ssyncadd.s32 $0xFFFFFC00  }
0x54: {  	_ =	swait.ge [sflag:s21], $0x400  }
0x55: {  	[sflag:s21] =	ssyncset.done $0x0  }
0x56: {  	[sflag:s21] =	ssyncadd.s32 $0xFFFFFC00  }
0x57: {  	_ =	swait.ge [sflag:s22], $0x400  }
0x58: {  	[sflag:s22] =	ssyncset.done $0x0  }
0x59: {  	[sflag:s22] =	ssyncadd.s32 $0xFFFFFC00  }
0x5a: {  	_ =	swait.ge [sflag:s21], $0x400  }
0x5b: {  	[sflag:s21] =	ssyncset.done $0x0  }
0x5c: {  	[sflag:s21] =	ssyncadd.s32 $0xFFFFFC00  }
0x5d: {  	_ =	swait.ge [sflag:s22], $0x400  }
0x5e: {  	[sflag:s22] =	ssyncset.done $0x0  }
0x5f: {  	[sflag:s22] =	ssyncadd.s32 $0xFFFFFC00  }
0x60: {  	_ =	swait.ge [sflag:s21], $0x400  }
0x61: {  	[sflag:s21] =	ssyncset.done $0x0  }
0x62: {  	[sflag:s21] =	ssyncadd.s32 $0xFFFFFC00  }
0x63: {  	_ =	swait.ge [sflag:s22], $0x400  }
0x64: {  	[sflag:s22] =	ssyncset.done $0x0  }
0x65: {  	[sflag:s22] =	ssyncadd.s32 $0xFFFFFC00  }
0x66: {  	_ =	swait.ge [sflag:s21], $0x400  }
0x67: {  	[sflag:s21] =	ssyncset.done $0x0  }
0x68: {  	[sflag:s21] =	ssyncadd.s32 $0xFFFFFC00  }
0x69: {  	_ =	swait.ge [sflag:s22], $0x400  }
0x6a: {  	[sflag:s22] =	ssyncset.done $0x0  }
0x6b: {  	[sflag:s22] =	ssyncadd.s32 $0xFFFFFC00  }
0x6c: {  	_ =	swait.ge [sflag:s21], $0x400  }
0x6d: {  	[sflag:s21] =	ssyncset.done $0x0  }
0x6e: {  	[sflag:s21] =	ssyncadd.s32 $0xFFFFFC00  }
0x6f: {  	_ =	swait.ge [sflag:s22], $0x400  }
0x70: {  	[sflag:s22] =	ssyncset.done $0x0  }
0x71: {  	[sflag:s22] =	ssyncadd.s32 $0xFFFFFC00  }
0x72: {  	_ =	swait.ge [sflag:s21], $0x400  }
0x73: {  	[sflag:s21] =	ssyncset.done $0x0  }
0x74: {  	[sflag:s21] =	ssyncadd.s32 $0xFFFFFC00  }
0x75: {  	_ =	swait.ge [sflag:s22], $0x400  }
0x76: {  	[sflag:s22] =	ssyncset.done $0x0  }
0x77: {  	[sflag:s22] =	ssyncadd.s32 $0xFFFFFC00  }
0x78: {  	_ =	swait.ge [sflag:s21], $0x400  }
0x79: {  	[sflag:s21] =	ssyncset.done $0x0  }
0x7a: {  	[sflag:s21] =	ssyncadd.s32 $0xFFFFFC00  }
0x7b: {  	_ =	swait.ge [sflag:s22], $0x400  }
0x7c: {  	s25 =	sadd.s32 $0x1, s25;
	[sflag:s22] =	ssyncset.done $0x0  }
0x7d: {  	p0 =	sne.s32 s25, s15;
	[sflag:s22] =	ssyncadd.s32 $0xFFFFFC00  }
.Ltmp1:
0x7e: {  	[bflag:$0x0] =	sbarrier.arrive $0xFFFF;
	(pc) =	sbr.rel @p0 .LBB2_1-.Ltmp1, $4  }
0x7f: {  	[hbm:s14], [sflag:s23] =	dma.local [spmem:s24], $0x280  }
0x80: {  	_ =	swait.ge [sflag:s17], $0x280  }
0x81: {  	[sflag:s17] =	ssyncset.done $0x0  }
0x82: {  	[sflag:s17] =	ssyncadd.s32 $0xFFFFFD80  }
0x83: {  	_ =	sfence.sel $0x180000  }
0x84: {  	[bflag:$0x0] =	sbarrier.arrive $0xFFFF  }
0x85: {  	p0 =	sne.s32 s0, $0x0;
	_ =	strace $0x90000047  }
0x86: {  	s0 =	sadd.s32 @!p0 $0x100000, s1;
	[bflag:$0x2] =	sbarrier.arrive $0xFFFF  }
0x87: {  	[sflag:s0] =	ssyncadd.tile.s32 @!p0 $0x1;
	_ =	shalt  }
.Lfunc_end2:
_tile_overlayer_lowered:
.L_overlay_start_2:
0x88: {  	(tag) =	ssettag $0x2  }
0x89: {  	s0 =	rddreg [dreg:$0x0];
	s2 =	stileid.u32  }
0x8a: {  	s1 =	rddreg [dreg:$0x1];
	p0 =	sne.s32 s2, $0x0  }
0x8b: {  	s3 =	rddreg [dreg:$0x2];
	[bflag:$0x3] =	sbarrier.arrive $0xFFFF;
	s2 =	simm.s32 @!p0 $0x1C03  }
0x8c: {  	[timem:s3], [sflag:s2] =	dma.local @!p0 [hbm:s0], s1  }
0x8d: {  	s0 =	simm.s32 @!p0 $0x3  }
0x8e: {  	_ =	swait.ge @!p0 [sflag:s0], s1  }
0x8f: {  	s1 =	ssub.s32 @!p0 $0x0, s1;
	[sflag:s0] =	ssyncset.done @!p0 $0x0  }
0x90: {  	[sflag:s0] =	ssyncadd.s32 @!p0 s1  }
0x91: {  	[bflag:$0x3] =	sbarrier.arrive $0xFFFF  }
0x92: {  	_ =	shalt  }

</sc_bundles>
